<compile_context>
chip_gen: v7x
topology: tpu7x:2x2x1
jax: 0.10.2.dev20260603
libtpu: 0.0.44.dev20260713+nightly
codegen_flags: <defaults>
</compile_context>

<pallas_src>
import functools

import jax
import jax.numpy as jnp
from jax import lax
from jax.experimental import pallas as pl
from jax.experimental.pallas import tpu as pltpu
from jax.experimental.pallas import tpu_sc as plsc

B = 16384
D = 128
RD = 128
NREL = 64
LAM = 1e-05

NC = 2
NS = 16
NW = NC * NS
ROWS_PER_W = B // NW
CHUNK = 128
NCHUNK = ROWS_PER_W // CHUNK

TILE = 512
NTILES = B // TILE
GROUP = 4
NGROUP = NREL // GROUP


def _sc_gather_body(table_hbm, h_hbm, p_hbm, n_hbm,
                    out_h, out_p, out_n,
                    idx_v, rows_v, sem):
    wid = lax.axis_index("s") * NC + lax.axis_index("c")
    base = wid * ROWS_PER_W
    for idx_hbm, out_hbm in ((h_hbm, out_h), (p_hbm, out_p), (n_hbm, out_n)):
        for c in range(NCHUNK):
            off = base + c * CHUNK
            pltpu.sync_copy(idx_hbm.at[pl.ds(off, CHUNK)], idx_v)
            pltpu.async_copy(table_hbm.at[idx_v], rows_v, sem).wait()
            pltpu.sync_copy(rows_v, out_hbm.at[pl.ds(off, CHUNK)])


def _sc_gather(entity_embed, h, p, n):
    mesh = plsc.VectorSubcoreMesh(core_axis_name="c", subcore_axis_name="s")
    f = pl.kernel(
        _sc_gather_body,
        out_type=(
            jax.ShapeDtypeStruct((B, D), jnp.float32),
            jax.ShapeDtypeStruct((B, D), jnp.float32),
            jax.ShapeDtypeStruct((B, D), jnp.float32),
        ),
        mesh=mesh,
        scratch_types=[
            pltpu.VMEM((CHUNK,), jnp.int32),
            pltpu.VMEM((CHUNK, D), jnp.float32),
            pltpu.SemaphoreType.DMA,
        ],
    )
    return f(entity_embed, h, p, n)


def _normalize(x):
    n = jnp.sqrt(jnp.sum(x * x, axis=1, keepdims=True))
    return x / jnp.maximum(n, 1e-12)


def _tc_body(r_ref, he_ref, pe_ref, ne_ref, rel_ref, wm_ref, out_ref):
    t = pl.program_id(0)
    r = r_ref[...]
    X = jnp.concatenate([he_ref[...], pe_ref[...], ne_ref[...]],
                        axis=0).astype(jnp.bfloat16)
    rr = jnp.concatenate([r, r, r], axis=0)
    X4 = jnp.concatenate([X] * GROUP, axis=1)
    lane_rel = lax.broadcasted_iota(
        jnp.int32, (3 * TILE, GROUP * D), 1) // D

    acc = jnp.zeros((3 * TILE, RD), jnp.float32)
    for j in range(NGROUP):
        mask = rr == (lane_rel + j * GROUP)
        Xm = jnp.where(mask, X4, jnp.bfloat16(0.0))
        acc = acc + jnp.dot(Xm, wm_ref[j],
                            preferred_element_type=jnp.float32)

    onehot = (r == lax.broadcasted_iota(jnp.int32, (TILE, NREL), 1))
    r_emb = jnp.dot(onehot.astype(jnp.float32), rel_ref[...],
                    preferred_element_type=jnp.float32)

    mh = _normalize(acc[:TILE])
    mp = _normalize(acc[TILE:2 * TILE])
    mn = _normalize(acc[2 * TILE:])
    re = _normalize(r_emb)

    base = mh + re
    pos = jnp.sqrt(jnp.sum((base - mp) ** 2, axis=1))
    neg = jnp.sqrt(jnp.sum((base - mn) ** 2, axis=1))
    kg = -jnp.log(1.0 / (1.0 + jnp.exp(pos - neg)) + 1e-08)
    l2 = 0.5 * (jnp.sum(mh * mh) + jnp.sum(re * re)
                + jnp.sum(mp * mp) + jnp.sum(mn * mn))
    partial = jnp.sum(kg) / B + LAM * l2 / B

    @pl.when(t == 0)
    def _init():
        out_ref[0, 0] = 0.0

    out_ref[0, 0] += partial


def _tc_loss(r2d, he, pe, ne, relation_embed, trans_M):
    return pl.pallas_call(
        _tc_body,
        grid=(NTILES,),
        in_specs=[
            pl.BlockSpec((TILE, 1), lambda t: (t, 0)),
            pl.BlockSpec((TILE, D), lambda t: (t, 0)),
            pl.BlockSpec((TILE, D), lambda t: (t, 0)),
            pl.BlockSpec((TILE, D), lambda t: (t, 0)),
            pl.BlockSpec((NREL, RD), lambda t: (0, 0)),
            pl.BlockSpec((NGROUP, GROUP * D, RD), lambda t: (0, 0, 0)),
        ],
        out_specs=pl.BlockSpec(memory_space=pltpu.SMEM),
        out_shape=jax.ShapeDtypeStruct((1, 1), jnp.float32),
        compiler_params=pltpu.CompilerParams(
            dimension_semantics=("arbitrary",),
        ),
    )(r2d, he, pe, ne, relation_embed, trans_M)


def kernel(h, r, pos_t, neg_t, entity_embed, relation_embed, trans_M):
    h = h.astype(jnp.int32)
    r = r.astype(jnp.int32)
    pos_t = pos_t.astype(jnp.int32)
    neg_t = neg_t.astype(jnp.int32)
    he, pe, ne = _sc_gather(entity_embed, h, pos_t, neg_t)
    wm4 = trans_M.astype(jnp.bfloat16).reshape(NGROUP, GROUP * D, RD)
    out = _tc_loss(r.reshape(B, 1), he, pe, ne, relation_embed, wm4)
    return out.reshape(())

# --- scband reference (transcript-rebuilt; emitter-appended) ---
"""Pipeline reference for scband-embedding-based-84859963835155 (READ-ONLY COPY).

The authoritative reference and input builder live on the scoring server;
editing this copy changes nothing except your own understanding.
"""

import jax, jax.numpy as jnp
import numpy as np

N_ENT = 100000
N_REL = 64
D = 128
RD = 128
B = 16384
LAM = 1e-05


def _xavier(k, shape):
    if len(shape) == 2:
        fan_in, fan_out = shape[0], shape[1]
        recep = 1
    else:
        fan_out, fan_in, recep = shape[0], shape[1], shape[2]
    a = float(np.sqrt(6.0 / (fan_in * recep + fan_out * recep)))
    return jax.random.uniform(k, shape, minval=-a, maxval=a, dtype=jnp.float32)


def setup_inputs(seed: int = 0) -> dict:
    key = jax.random.key(seed)
    k1, k2, k3, k4, k5, k6, k7 = jax.random.split(key, 7)
    h = jax.random.randint(k1, (B,), 0, N_ENT, dtype=jnp.int64) if jax.config.jax_enable_x64 else jax.random.randint(k1, (B,), 0, N_ENT, dtype=jnp.int32)
    r = jax.random.randint(k2, (B,), 0, N_REL, dtype=h.dtype)
    pos_t = jax.random.randint(k3, (B,), 0, N_ENT, dtype=h.dtype)
    neg_t = jax.random.randint(k4, (B,), 0, N_ENT, dtype=h.dtype)
    entity_embed = _xavier(k5, (N_ENT, D))
    relation_embed = _xavier(k6, (N_REL, RD))
    trans_M = _xavier(k7, (N_REL, D, RD))
    return {"h": h, "r": r, "pos_t": pos_t, "neg_t": neg_t,
            "entity_embed": entity_embed, "relation_embed": relation_embed,
            "trans_M": trans_M}


def _normalize(x):
    n = jnp.linalg.norm(x, axis=1, keepdims=True)
    return x / jnp.maximum(n, 1e-12)


def _l2_loss_mean(x):
    return jnp.mean(jnp.sum(x * x, axis=1) / 2.0)


def reference(h, r, pos_t, neg_t, entity_embed, relation_embed, trans_M):
    r_embed = jnp.take(relation_embed, r, axis=0)
    W_r = jnp.take(trans_M, r, axis=0)
    h_embed = jnp.take(entity_embed, h, axis=0)
    pos_t_embed = jnp.take(entity_embed, pos_t, axis=0)
    neg_t_embed = jnp.take(entity_embed, neg_t, axis=0)
    r_mul_h = jnp.einsum('bd,bdk->bk', h_embed, W_r)
    r_mul_pos_t = jnp.einsum('bd,bdk->bk', pos_t_embed, W_r)
    r_mul_neg_t = jnp.einsum('bd,bdk->bk', neg_t_embed, W_r)
    r_embed = _normalize(r_embed)
    r_mul_h = _normalize(r_mul_h)
    r_mul_pos_t = _normalize(r_mul_pos_t)
    r_mul_neg_t = _normalize(r_mul_neg_t)
    pos_score = jnp.linalg.norm(r_mul_h + r_embed - r_mul_pos_t, axis=1)
    neg_score = jnp.linalg.norm(r_mul_h + r_embed - r_mul_neg_t, axis=1)
    kg_loss = jnp.mean(-jnp.log(jax.nn.sigmoid(neg_score - pos_score) + 1e-08))
    l2_loss = (_l2_loss_mean(r_mul_h) + _l2_loss_mean(r_embed)
               + _l2_loss_mean(r_mul_pos_t) + _l2_loss_mean(r_mul_neg_t))
    return kg_loss + LAM * l2_loss

if __name__ == "__main__":
    import jax
    _d = setup_inputs()
    print(jax.jit(kernel)(*tuple(_d.values())))

</pallas_src>

<mosaic_0001>
#map = affine_map<(d0, d1) -> (0, 0)>
#map1 = affine_map<(d0, d1) -> (0)>
module attributes {stable_mosaic.version = 14 : i64} {
  func.func @_sc_gather_body(%arg0: i32, %arg1: i32, %arg2: memref<100000x128xf32, #tpu.memory_space<hbm>>, %arg3: memref<16384xi32, #tpu.memory_space<hbm>>, %arg4: memref<16384xi32, #tpu.memory_space<hbm>>, %arg5: memref<16384xi32, #tpu.memory_space<hbm>>, %arg6: memref<16384x128xf32, #tpu.memory_space<hbm>>, %arg7: memref<16384x128xf32, #tpu.memory_space<hbm>>, %arg8: memref<16384x128xf32, #tpu.memory_space<hbm>>, %arg9: memref<128xi32, #tpu.memory_space<vmem>>, %arg10: memref<128x128xf32, #tpu.memory_space<vmem>>, %arg11: memref<!tpu.dma_semaphore, #tpu.memory_space<semaphore_mem>>) attributes {dimension_semantics = [#tpu.dimension_semantics<core_parallel>, #tpu.dimension_semantics<subcore_parallel>], iteration_bounds = array<i64: 2, 16>, scalar_prefetch = 0 : i64, scratch_operands = 3 : i64, tpu.core_type = #tpu.core_type<sc_vector_subcore>, window_params = [{transform_indices = #map}, {transform_indices = #map1}, {transform_indices = #map1}, {transform_indices = #map1}, {transform_indices = #map}, {transform_indices = #map}, {transform_indices = #map}]} {
    %mul3A = arith.constant 2 : i32
    %mul3A_0 = arith.muli %arg1, %mul3A : i32
    %add3A = arith.addi %mul3A_0, %arg0 : i32
    %mul3A_1 = arith.constant 512 : i32
    %mul3A_2 = arith.muli %add3A, %mul3A_1 : i32
    %add3A_3 = arith.constant 0 : i32
    %add3A_4 = arith.addi %mul3A_2, %add3A_3 : i32
    "tpu.region"() ({
      %run_scoped3A = tpu.sem_alloc : memref<!tpu.dma_semaphore, #tpu.memory_space<semaphore_mem>>
      %dma_start3A_97 = tpu.memref_slice %arg3[%add3A_4] : memref<16384xi32, #tpu.memory_space<hbm>> -> memref<128xi32, #tpu.memory_space<hbm>>
      %dma_start3A_98 = tpu.memref_slice %arg3[%add3A_4] : memref<16384xi32, #tpu.memory_space<hbm>> -> memref<128xi32, #tpu.memory_space<hbm>>
      tpu.enqueue_dma source(%dma_start3A_98 : memref<128xi32, #tpu.memory_space<hbm>>) target(%arg9 : memref<128xi32, #tpu.memory_space<vmem>>) target_semaphore(%run_scoped3A : memref<!tpu.dma_semaphore, #tpu.memory_space<semaphore_mem>>)
      %dma_wait3A_99 = tpu.memref_slice %arg3[%add3A_4] : memref<16384xi32, #tpu.memory_space<hbm>> -> memref<128xi32, #tpu.memory_space<hbm>>
      %dma_wait3A_100 = tpu.memref_slice %arg3[%add3A_4] : memref<16384xi32, #tpu.memory_space<hbm>> -> memref<128xi32, #tpu.memory_space<hbm>>
      tpu.wait_dma2 semaphore(%run_scoped3A : memref<!tpu.dma_semaphore, #tpu.memory_space<semaphore_mem>>) src(%dma_wait3A_100 : memref<128xi32, #tpu.memory_space<hbm>>) dst(%arg9 : memref<128xi32, #tpu.memory_space<vmem>>)
      tpu.yield
    }) : () -> ()
    %dma_start3A = arith.constant 0 : i32
    %dma_start3A_5 = arith.constant 0 : i32
    %dma_start3A_6 = tpu.memref_slice %arg2[%dma_start3A, %dma_start3A_5] : memref<100000x128xf32, #tpu.memory_space<hbm>> -> memref<100000x128xf32, #tpu.memory_space<hbm>>
    tpu.enqueue_indirect_dma source(%dma_start3A_6 : memref<100000x128xf32, #tpu.memory_space<hbm>>) target(%arg10 : memref<128x128xf32, #tpu.memory_space<vmem>>) offsets(%arg9 : memref<128xi32, #tpu.memory_space<vmem>>) semaphore(%arg11 : memref<!tpu.dma_semaphore, #tpu.memory_space<semaphore_mem>>)
    %dma_wait3A = arith.constant 0 : i32
    %dma_wait3A_7 = arith.constant 0 : i32
    %dma_wait3A_8 = tpu.memref_slice %arg2[%dma_wait3A, %dma_wait3A_7] : memref<100000x128xf32, #tpu.memory_space<hbm>> -> memref<100000x128xf32, #tpu.memory_space<hbm>>
    tpu.wait_indirect_dma semaphore(%arg11 : memref<!tpu.dma_semaphore, #tpu.memory_space<semaphore_mem>>) src(%dma_wait3A_8 : memref<100000x128xf32, #tpu.memory_space<hbm>>) dst(%arg10 : memref<128x128xf32, #tpu.memory_space<vmem>>)
    "tpu.region"() ({
      %run_scoped3A = tpu.sem_alloc : memref<!tpu.dma_semaphore, #tpu.memory_space<semaphore_mem>>
      %dma_start3A_97 = arith.constant 0 : i32
      %dma_start3A_98 = tpu.memref_slice %arg6[%add3A_4, %dma_start3A_97] : memref<16384x128xf32, #tpu.memory_space<hbm>> -> memref<128x128xf32, #tpu.memory_space<hbm>>
      %dma_start3A_99 = arith.constant 0 : i32
      %dma_start3A_100 = tpu.memref_slice %arg6[%add3A_4, %dma_start3A_99] : memref<16384x128xf32, #tpu.memory_space<hbm>> -> memref<128x128xf32, #tpu.memory_space<hbm>>
      tpu.enqueue_dma source(%arg10 : memref<128x128xf32, #tpu.memory_space<vmem>>) target(%dma_start3A_100 : memref<128x128xf32, #tpu.memory_space<hbm>>) target_semaphore(%run_scoped3A : memref<!tpu.dma_semaphore, #tpu.memory_space<semaphore_mem>>)
      %dma_wait3A_101 = arith.constant 0 : i32
      %dma_wait3A_102 = tpu.memref_slice %arg6[%add3A_4, %dma_wait3A_101] : memref<16384x128xf32, #tpu.memory_space<hbm>> -> memref<128x128xf32, #tpu.memory_space<hbm>>
      %dma_wait3A_103 = arith.constant 0 : i32
      %dma_wait3A_104 = tpu.memref_slice %arg6[%add3A_4, %dma_wait3A_103] : memref<16384x128xf32, #tpu.memory_space<hbm>> -> memref<128x128xf32, #tpu.memory_space<hbm>>
      tpu.wait_dma2 semaphore(%run_scoped3A : memref<!tpu.dma_semaphore, #tpu.memory_space<semaphore_mem>>) src(%arg10 : memref<128x128xf32, #tpu.memory_space<vmem>>) dst(%dma_wait3A_104 : memref<128x128xf32, #tpu.memory_space<hbm>>)
      tpu.yield
    }) : () -> ()
    %add3A_9 = arith.constant 128 : i32
    %add3A_10 = arith.addi %mul3A_2, %add3A_9 : i32
    "tpu.region"() ({
      %run_scoped3A = tpu.sem_alloc : memref<!tpu.dma_semaphore, #tpu.memory_space<semaphore_mem>>
      %dma_start3A_97 = tpu.memref_slice %arg3[%add3A_10] : memref<16384xi32, #tpu.memory_space<hbm>> -> memref<128xi32, #tpu.memory_space<hbm>>
      %dma_start3A_98 = tpu.memref_slice %arg3[%add3A_10] : memref<16384xi32, #tpu.memory_space<hbm>> -> memref<128xi32, #tpu.memory_space<hbm>>
      tpu.enqueue_dma source(%dma_start3A_98 : memref<128xi32, #tpu.memory_space<hbm>>) target(%arg9 : memref<128xi32, #tpu.memory_space<vmem>>) target_semaphore(%run_scoped3A : memref<!tpu.dma_semaphore, #tpu.memory_space<semaphore_mem>>)
      %dma_wait3A_99 = tpu.memref_slice %arg3[%add3A_10] : memref<16384xi32, #tpu.memory_space<hbm>> -> memref<128xi32, #tpu.memory_space<hbm>>
      %dma_wait3A_100 = tpu.memref_slice %arg3[%add3A_10] : memref<16384xi32, #tpu.memory_space<hbm>> -> memref<128xi32, #tpu.memory_space<hbm>>
      tpu.wait_dma2 semaphore(%run_scoped3A : memref<!tpu.dma_semaphore, #tpu.memory_space<semaphore_mem>>) src(%dma_wait3A_100 : memref<128xi32, #tpu.memory_space<hbm>>) dst(%arg9 : memref<128xi32, #tpu.memory_space<vmem>>)
      tpu.yield
    }) : () -> ()
    %dma_start3A_11 = arith.constant 0 : i32
    %dma_start3A_12 = arith.constant 0 : i32
    %dma_start3A_13 = tpu.memref_slice %arg2[%dma_start3A_11, %dma_start3A_12] : memref<100000x128xf32, #tpu.memory_space<hbm>> -> memref<100000x128xf32, #tpu.memory_space<hbm>>
    tpu.enqueue_indirect_dma source(%dma_start3A_13 : memref<100000x128xf32, #tpu.memory_space<hbm>>) target(%arg10 : memref<128x128xf32, #tpu.memory_space<vmem>>) offsets(%arg9 : memref<128xi32, #tpu.memory_space<vmem>>) semaphore(%arg11 : memref<!tpu.dma_semaphore, #tpu.memory_space<semaphore_mem>>)
    %dma_wait3A_14 = arith.constant 0 : i32
    %dma_wait3A_15 = arith.constant 0 : i32
    %dma_wait3A_16 = tpu.memref_slice %arg2[%dma_wait3A_14, %dma_wait3A_15] : memref<100000x128xf32, #tpu.memory_space<hbm>> -> memref<100000x128xf32, #tpu.memory_space<hbm>>
    tpu.wait_indirect_dma semaphore(%arg11 : memref<!tpu.dma_semaphore, #tpu.memory_space<semaphore_mem>>) src(%dma_wait3A_16 : memref<100000x128xf32, #tpu.memory_space<hbm>>) dst(%arg10 : memref<128x128xf32, #tpu.memory_space<vmem>>)
    "tpu.region"() ({
      %run_scoped3A = tpu.sem_alloc : memref<!tpu.dma_semaphore, #tpu.memory_space<semaphore_mem>>
      %dma_start3A_97 = arith.constant 0 : i32
      %dma_start3A_98 = tpu.memref_slice %arg6[%add3A_10, %dma_start3A_97] : memref<16384x128xf32, #tpu.memory_space<hbm>> -> memref<128x128xf32, #tpu.memory_space<hbm>>
      %dma_start3A_99 = arith.constant 0 : i32
      %dma_start3A_100 = tpu.memref_slice %arg6[%add3A_10, %dma_start3A_99] : memref<16384x128xf32, #tpu.memory_space<hbm>> -> memref<128x128xf32, #tpu.memory_space<hbm>>
      tpu.enqueue_dma source(%arg10 : memref<128x128xf32, #tpu.memory_space<vmem>>) target(%dma_start3A_100 : memref<128x128xf32, #tpu.memory_space<hbm>>) target_semaphore(%run_scoped3A : memref<!tpu.dma_semaphore, #tpu.memory_space<semaphore_mem>>)
      %dma_wait3A_101 = arith.constant 0 : i32
      %dma_wait3A_102 = tpu.memref_slice %arg6[%add3A_10, %dma_wait3A_101] : memref<16384x128xf32, #tpu.memory_space<hbm>> -> memref<128x128xf32, #tpu.memory_space<hbm>>
      %dma_wait3A_103 = arith.constant 0 : i32
      %dma_wait3A_104 = tpu.memref_slice %arg6[%add3A_10, %dma_wait3A_103] : memref<16384x128xf32, #tpu.memory_space<hbm>> -> memref<128x128xf32, #tpu.memory_space<hbm>>
      tpu.wait_dma2 semaphore(%run_scoped3A : memref<!tpu.dma_semaphore, #tpu.memory_space<semaphore_mem>>) src(%arg10 : memref<128x128xf32, #tpu.memory_space<vmem>>) dst(%dma_wait3A_104 : memref<128x128xf32, #tpu.memory_space<hbm>>)
      tpu.yield
    }) : () -> ()
    %add3A_17 = arith.constant 256 : i32
    %add3A_18 = arith.addi %mul3A_2, %add3A_17 : i32
    "tpu.region"() ({
      %run_scoped3A = tpu.sem_alloc : memref<!tpu.dma_semaphore, #tpu.memory_space<semaphore_mem>>
      %dma_start3A_97 = tpu.memref_slice %arg3[%add3A_18] : memref<16384xi32, #tpu.memory_space<hbm>> -> memref<128xi32, #tpu.memory_space<hbm>>
      %dma_start3A_98 = tpu.memref_slice %arg3[%add3A_18] : memref<16384xi32, #tpu.memory_space<hbm>> -> memref<128xi32, #tpu.memory_space<hbm>>
      tpu.enqueue_dma source(%dma_start3A_98 : memref<128xi32, #tpu.memory_space<hbm>>) target(%arg9 : memref<128xi32, #tpu.memory_space<vmem>>) target_semaphore(%run_scoped3A : memref<!tpu.dma_semaphore, #tpu.memory_space<semaphore_mem>>)
      %dma_wait3A_99 = tpu.memref_slice %arg3[%add3A_18] : memref<16384xi32, #tpu.memory_space<hbm>> -> memref<128xi32, #tpu.memory_space<hbm>>
      %dma_wait3A_100 = tpu.memref_slice %arg3[%add3A_18] : memref<16384xi32, #tpu.memory_space<hbm>> -> memref<128xi32, #tpu.memory_space<hbm>>
      tpu.wait_dma2 semaphore(%run_scoped3A : memref<!tpu.dma_semaphore, #tpu.memory_space<semaphore_mem>>) src(%dma_wait3A_100 : memref<128xi32, #tpu.memory_space<hbm>>) dst(%arg9 : memref<128xi32, #tpu.memory_space<vmem>>)
      tpu.yield
    }) : () -> ()
    %dma_start3A_19 = arith.constant 0 : i32
    %dma_start3A_20 = arith.constant 0 : i32
    %dma_start3A_21 = tpu.memref_slice %arg2[%dma_start3A_19, %dma_start3A_20] : memref<100000x128xf32, #tpu.memory_space<hbm>> -> memref<100000x128xf32, #tpu.memory_space<hbm>>
    tpu.enqueue_indirect_dma source(%dma_start3A_21 : memref<100000x128xf32, #tpu.memory_space<hbm>>) target(%arg10 : memref<128x128xf32, #tpu.memory_space<vmem>>) offsets(%arg9 : memref<128xi32, #tpu.memory_space<vmem>>) semaphore(%arg11 : memref<!tpu.dma_semaphore, #tpu.memory_space<semaphore_mem>>)
    %dma_wait3A_22 = arith.constant 0 : i32
    %dma_wait3A_23 = arith.constant 0 : i32
    %dma_wait3A_24 = tpu.memref_slice %arg2[%dma_wait3A_22, %dma_wait3A_23] : memref<100000x128xf32, #tpu.memory_space<hbm>> -> memref<100000x128xf32, #tpu.memory_space<hbm>>
    tpu.wait_indirect_dma semaphore(%arg11 : memref<!tpu.dma_semaphore, #tpu.memory_space<semaphore_mem>>) src(%dma_wait3A_24 : memref<100000x128xf32, #tpu.memory_space<hbm>>) dst(%arg10 : memref<128x128xf32, #tpu.memory_space<vmem>>)
    "tpu.region"() ({
      %run_scoped3A = tpu.sem_alloc : memref<!tpu.dma_semaphore, #tpu.memory_space<semaphore_mem>>
      %dma_start3A_97 = arith.constant 0 : i32
      %dma_start3A_98 = tpu.memref_slice %arg6[%add3A_18, %dma_start3A_97] : memref<16384x128xf32, #tpu.memory_space<hbm>> -> memref<128x128xf32, #tpu.memory_space<hbm>>
      %dma_start3A_99 = arith.constant 0 : i32
      %dma_start3A_100 = tpu.memref_slice %arg6[%add3A_18, %dma_start3A_99] : memref<16384x128xf32, #tpu.memory_space<hbm>> -> memref<128x128xf32, #tpu.memory_space<hbm>>
      tpu.enqueue_dma source(%arg10 : memref<128x128xf32, #tpu.memory_space<vmem>>) target(%dma_start3A_100 : memref<128x128xf32, #tpu.memory_space<hbm>>) target_semaphore(%run_scoped3A : memref<!tpu.dma_semaphore, #tpu.memory_space<semaphore_mem>>)
      %dma_wait3A_101 = arith.constant 0 : i32
      %dma_wait3A_102 = tpu.memref_slice %arg6[%add3A_18, %dma_wait3A_101] : memref<16384x128xf32, #tpu.memory_space<hbm>> -> memref<128x128xf32, #tpu.memory_space<hbm>>
      %dma_wait3A_103 = arith.constant 0 : i32
      %dma_wait3A_104 = tpu.memref_slice %arg6[%add3A_18, %dma_wait3A_103] : memref<16384x128xf32, #tpu.memory_space<hbm>> -> memref<128x128xf32, #tpu.memory_space<hbm>>
      tpu.wait_dma2 semaphore(%run_scoped3A : memref<!tpu.dma_semaphore, #tpu.memory_space<semaphore_mem>>) src(%arg10 : memref<128x128xf32, #tpu.memory_space<vmem>>) dst(%dma_wait3A_104 : memref<128x128xf32, #tpu.memory_space<hbm>>)
      tpu.yield
    }) : () -> ()
    %add3A_25 = arith.constant 384 : i32
    %add3A_26 = arith.addi %mul3A_2, %add3A_25 : i32
    "tpu.region"() ({
      %run_scoped3A = tpu.sem_alloc : memref<!tpu.dma_semaphore, #tpu.memory_space<semaphore_mem>>
      %dma_start3A_97 = tpu.memref_slice %arg3[%add3A_26] : memref<16384xi32, #tpu.memory_space<hbm>> -> memref<128xi32, #tpu.memory_space<hbm>>
      %dma_start3A_98 = tpu.memref_slice %arg3[%add3A_26] : memref<16384xi32, #tpu.memory_space<hbm>> -> memref<128xi32, #tpu.memory_space<hbm>>
      tpu.enqueue_dma source(%dma_start3A_98 : memref<128xi32, #tpu.memory_space<hbm>>) target(%arg9 : memref<128xi32, #tpu.memory_space<vmem>>) target_semaphore(%run_scoped3A : memref<!tpu.dma_semaphore, #tpu.memory_space<semaphore_mem>>)
      %dma_wait3A_99 = tpu.memref_slice %arg3[%add3A_26] : memref<16384xi32, #tpu.memory_space<hbm>> -> memref<128xi32, #tpu.memory_space<hbm>>
      %dma_wait3A_100 = tpu.memref_slice %arg3[%add3A_26] : memref<16384xi32, #tpu.memory_space<hbm>> -> memref<128xi32, #tpu.memory_space<hbm>>
      tpu.wait_dma2 semaphore(%run_scoped3A : memref<!tpu.dma_semaphore, #tpu.memory_space<semaphore_mem>>) src(%dma_wait3A_100 : memref<128xi32, #tpu.memory_space<hbm>>) dst(%arg9 : memref<128xi32, #tpu.memory_space<vmem>>)
      tpu.yield
    }) : () -> ()
    %dma_start3A_27 = arith.constant 0 : i32
    %dma_start3A_28 = arith.constant 0 : i32
    %dma_start3A_29 = tpu.memref_slice %arg2[%dma_start3A_27, %dma_start3A_28] : memref<100000x128xf32, #tpu.memory_space<hbm>> -> memref<100000x128xf32, #tpu.memory_space<hbm>>
    tpu.enqueue_indirect_dma source(%dma_start3A_29 : memref<100000x128xf32, #tpu.memory_space<hbm>>) target(%arg10 : memref<128x128xf32, #tpu.memory_space<vmem>>) offsets(%arg9 : memref<128xi32, #tpu.memory_space<vmem>>) semaphore(%arg11 : memref<!tpu.dma_semaphore, #tpu.memory_space<semaphore_mem>>)
    %dma_wait3A_30 = arith.constant 0 : i32
    %dma_wait3A_31 = arith.constant 0 : i32
    %dma_wait3A_32 = tpu.memref_slice %arg2[%dma_wait3A_30, %dma_wait3A_31] : memref<100000x128xf32, #tpu.memory_space<hbm>> -> memref<100000x128xf32, #tpu.memory_space<hbm>>
    tpu.wait_indirect_dma semaphore(%arg11 : memref<!tpu.dma_semaphore, #tpu.memory_space<semaphore_mem>>) src(%dma_wait3A_32 : memref<100000x128xf32, #tpu.memory_space<hbm>>) dst(%arg10 : memref<128x128xf32, #tpu.memory_space<vmem>>)
    "tpu.region"() ({
      %run_scoped3A = tpu.sem_alloc : memref<!tpu.dma_semaphore, #tpu.memory_space<semaphore_mem>>
      %dma_start3A_97 = arith.constant 0 : i32
      %dma_start3A_98 = tpu.memref_slice %arg6[%add3A_26, %dma_start3A_97] : memref<16384x128xf32, #tpu.memory_space<hbm>> -> memref<128x128xf32, #tpu.memory_space<hbm>>
      %dma_start3A_99 = arith.constant 0 : i32
      %dma_start3A_100 = tpu.memref_slice %arg6[%add3A_26, %dma_start3A_99] : memref<16384x128xf32, #tpu.memory_space<hbm>> -> memref<128x128xf32, #tpu.memory_space<hbm>>
      tpu.enqueue_dma source(%arg10 : memref<128x128xf32, #tpu.memory_space<vmem>>) target(%dma_start3A_100 : memref<128x128xf32, #tpu.memory_space<hbm>>) target_semaphore(%run_scoped3A : memref<!tpu.dma_semaphore, #tpu.memory_space<semaphore_mem>>)
      %dma_wait3A_101 = arith.constant 0 : i32
      %dma_wait3A_102 = tpu.memref_slice %arg6[%add3A_26, %dma_wait3A_101] : memref<16384x128xf32, #tpu.memory_space<hbm>> -> memref<128x128xf32, #tpu.memory_space<hbm>>
      %dma_wait3A_103 = arith.constant 0 : i32
      %dma_wait3A_104 = tpu.memref_slice %arg6[%add3A_26, %dma_wait3A_103] : memref<16384x128xf32, #tpu.memory_space<hbm>> -> memref<128x128xf32, #tpu.memory_space<hbm>>
      tpu.wait_dma2 semaphore(%run_scoped3A : memref<!tpu.dma_semaphore, #tpu.memory_space<semaphore_mem>>) src(%arg10 : memref<128x128xf32, #tpu.memory_space<vmem>>) dst(%dma_wait3A_104 : memref<128x128xf32, #tpu.memory_space<hbm>>)
      tpu.yield
    }) : () -> ()
    %add3A_33 = arith.constant 0 : i32
    %add3A_34 = arith.addi %mul3A_2, %add3A_33 : i32
    "tpu.region"() ({
      %run_scoped3A = tpu.sem_alloc : memref<!tpu.dma_semaphore, #tpu.memory_space<semaphore_mem>>
      %dma_start3A_97 = tpu.memref_slice %arg4[%add3A_34] : memref<16384xi32, #tpu.memory_space<hbm>> -> memref<128xi32, #tpu.memory_space<hbm>>
      %dma_start3A_98 = tpu.memref_slice %arg4[%add3A_34] : memref<16384xi32, #tpu.memory_space<hbm>> -> memref<128xi32, #tpu.memory_space<hbm>>
      tpu.enqueue_dma source(%dma_start3A_98 : memref<128xi32, #tpu.memory_space<hbm>>) target(%arg9 : memref<128xi32, #tpu.memory_space<vmem>>) target_semaphore(%run_scoped3A : memref<!tpu.dma_semaphore, #tpu.memory_space<semaphore_mem>>)
      %dma_wait3A_99 = tpu.memref_slice %arg4[%add3A_34] : memref<16384xi32, #tpu.memory_space<hbm>> -> memref<128xi32, #tpu.memory_space<hbm>>
      %dma_wait3A_100 = tpu.memref_slice %arg4[%add3A_34] : memref<16384xi32, #tpu.memory_space<hbm>> -> memref<128xi32, #tpu.memory_space<hbm>>
      tpu.wait_dma2 semaphore(%run_scoped3A : memref<!tpu.dma_semaphore, #tpu.memory_space<semaphore_mem>>) src(%dma_wait3A_100 : memref<128xi32, #tpu.memory_space<hbm>>) dst(%arg9 : memref<128xi32, #tpu.memory_space<vmem>>)
      tpu.yield
    }) : () -> ()
    %dma_start3A_35 = arith.constant 0 : i32
    %dma_start3A_36 = arith.constant 0 : i32
    %dma_start3A_37 = tpu.memref_slice %arg2[%dma_start3A_35, %dma_start3A_36] : memref<100000x128xf32, #tpu.memory_space<hbm>> -> memref<100000x128xf32, #tpu.memory_space<hbm>>
    tpu.enqueue_indirect_dma source(%dma_start3A_37 : memref<100000x128xf32, #tpu.memory_space<hbm>>) target(%arg10 : memref<128x128xf32, #tpu.memory_space<vmem>>) offsets(%arg9 : memref<128xi32, #tpu.memory_space<vmem>>) semaphore(%arg11 : memref<!tpu.dma_semaphore, #tpu.memory_space<semaphore_mem>>)
    %dma_wait3A_38 = arith.constant 0 : i32
    %dma_wait3A_39 = arith.constant 0 : i32
    %dma_wait3A_40 = tpu.memref_slice %arg2[%dma_wait3A_38, %dma_wait3A_39] : memref<100000x128xf32, #tpu.memory_space<hbm>> -> memref<100000x128xf32, #tpu.memory_space<hbm>>
    tpu.wait_indirect_dma semaphore(%arg11 : memref<!tpu.dma_semaphore, #tpu.memory_space<semaphore_mem>>) src(%dma_wait3A_40 : memref<100000x128xf32, #tpu.memory_space<hbm>>) dst(%arg10 : memref<128x128xf32, #tpu.memory_space<vmem>>)
    "tpu.region"() ({
      %run_scoped3A = tpu.sem_alloc : memref<!tpu.dma_semaphore, #tpu.memory_space<semaphore_mem>>
      %dma_start3A_97 = arith.constant 0 : i32
      %dma_start3A_98 = tpu.memref_slice %arg7[%add3A_34, %dma_start3A_97] : memref<16384x128xf32, #tpu.memory_space<hbm>> -> memref<128x128xf32, #tpu.memory_space<hbm>>
      %dma_start3A_99 = arith.constant 0 : i32
      %dma_start3A_100 = tpu.memref_slice %arg7[%add3A_34, %dma_start3A_99] : memref<16384x128xf32, #tpu.memory_space<hbm>> -> memref<128x128xf32, #tpu.memory_space<hbm>>
      tpu.enqueue_dma source(%arg10 : memref<128x128xf32, #tpu.memory_space<vmem>>) target(%dma_start3A_100 : memref<128x128xf32, #tpu.memory_space<hbm>>) target_semaphore(%run_scoped3A : memref<!tpu.dma_semaphore, #tpu.memory_space<semaphore_mem>>)
      %dma_wait3A_101 = arith.constant 0 : i32
      %dma_wait3A_102 = tpu.memref_slice %arg7[%add3A_34, %dma_wait3A_101] : memref<16384x128xf32, #tpu.memory_space<hbm>> -> memref<128x128xf32, #tpu.memory_space<hbm>>
      %dma_wait3A_103 = arith.constant 0 : i32
      %dma_wait3A_104 = tpu.memref_slice %arg7[%add3A_34, %dma_wait3A_103] : memref<16384x128xf32, #tpu.memory_space<hbm>> -> memref<128x128xf32, #tpu.memory_space<hbm>>
      tpu.wait_dma2 semaphore(%run_scoped3A : memref<!tpu.dma_semaphore, #tpu.memory_space<semaphore_mem>>) src(%arg10 : memref<128x128xf32, #tpu.memory_space<vmem>>) dst(%dma_wait3A_104 : memref<128x128xf32, #tpu.memory_space<hbm>>)
      tpu.yield
    }) : () -> ()
    %add3A_41 = arith.constant 128 : i32
    %add3A_42 = arith.addi %mul3A_2, %add3A_41 : i32
    "tpu.region"() ({
      %run_scoped3A = tpu.sem_alloc : memref<!tpu.dma_semaphore, #tpu.memory_space<semaphore_mem>>
      %dma_start3A_97 = tpu.memref_slice %arg4[%add3A_42] : memref<16384xi32, #tpu.memory_space<hbm>> -> memref<128xi32, #tpu.memory_space<hbm>>
      %dma_start3A_98 = tpu.memref_slice %arg4[%add3A_42] : memref<16384xi32, #tpu.memory_space<hbm>> -> memref<128xi32, #tpu.memory_space<hbm>>
      tpu.enqueue_dma source(%dma_start3A_98 : memref<128xi32, #tpu.memory_space<hbm>>) target(%arg9 : memref<128xi32, #tpu.memory_space<vmem>>) target_semaphore(%run_scoped3A : memref<!tpu.dma_semaphore, #tpu.memory_space<semaphore_mem>>)
      %dma_wait3A_99 = tpu.memref_slice %arg4[%add3A_42] : memref<16384xi32, #tpu.memory_space<hbm>> -> memref<128xi32, #tpu.memory_space<hbm>>
      %dma_wait3A_100 = tpu.memref_slice %arg4[%add3A_42] : memref<16384xi32, #tpu.memory_space<hbm>> -> memref<128xi32, #tpu.memory_space<hbm>>
      tpu.wait_dma2 semaphore(%run_scoped3A : memref<!tpu.dma_semaphore, #tpu.memory_space<semaphore_mem>>) src(%dma_wait3A_100 : memref<128xi32, #tpu.memory_space<hbm>>) dst(%arg9 : memref<128xi32, #tpu.memory_space<vmem>>)
      tpu.yield
    }) : () -> ()
    %dma_start3A_43 = arith.constant 0 : i32
    %dma_start3A_44 = arith.constant 0 : i32
    %dma_start3A_45 = tpu.memref_slice %arg2[%dma_start3A_43, %dma_start3A_44] : memref<100000x128xf32, #tpu.memory_space<hbm>> -> memref<100000x128xf32, #tpu.memory_space<hbm>>
    tpu.enqueue_indirect_dma source(%dma_start3A_45 : memref<100000x128xf32, #tpu.memory_space<hbm>>) target(%arg10 : memref<128x128xf32, #tpu.memory_space<vmem>>) offsets(%arg9 : memref<128xi32, #tpu.memory_space<vmem>>) semaphore(%arg11 : memref<!tpu.dma_semaphore, #tpu.memory_space<semaphore_mem>>)
    %dma_wait3A_46 = arith.constant 0 : i32
    %dma_wait3A_47 = arith.constant 0 : i32
    %dma_wait3A_48 = tpu.memref_slice %arg2[%dma_wait3A_46, %dma_wait3A_47] : memref<100000x128xf32, #tpu.memory_space<hbm>> -> memref<100000x128xf32, #tpu.memory_space<hbm>>
    tpu.wait_indirect_dma semaphore(%arg11 : memref<!tpu.dma_semaphore, #tpu.memory_space<semaphore_mem>>) src(%dma_wait3A_48 : memref<100000x128xf32, #tpu.memory_space<hbm>>) dst(%arg10 : memref<128x128xf32, #tpu.memory_space<vmem>>)
    "tpu.region"() ({
      %run_scoped3A = tpu.sem_alloc : memref<!tpu.dma_semaphore, #tpu.memory_space<semaphore_mem>>
      %dma_start3A_97 = arith.constant 0 : i32
      %dma_start3A_98 = tpu.memref_slice %arg7[%add3A_42, %dma_start3A_97] : memref<16384x128xf32, #tpu.memory_space<hbm>> -> memref<128x128xf32, #tpu.memory_space<hbm>>
      %dma_start3A_99 = arith.constant 0 : i32
      %dma_start3A_100 = tpu.memref_slice %arg7[%add3A_42, %dma_start3A_99] : memref<16384x128xf32, #tpu.memory_space<hbm>> -> memref<128x128xf32, #tpu.memory_space<hbm>>
      tpu.enqueue_dma source(%arg10 : memref<128x128xf32, #tpu.memory_space<vmem>>) target(%dma_start3A_100 : memref<128x128xf32, #tpu.memory_space<hbm>>) target_semaphore(%run_scoped3A : memref<!tpu.dma_semaphore, #tpu.memory_space<semaphore_mem>>)
      %dma_wait3A_101 = arith.constant 0 : i32
      %dma_wait3A_102 = tpu.memref_slice %arg7[%add3A_42, %dma_wait3A_101] : memref<16384x128xf32, #tpu.memory_space<hbm>> -> memref<128x128xf32, #tpu.memory_space<hbm>>
      %dma_wait3A_103 = arith.constant 0 : i32
      %dma_wait3A_104 = tpu.memref_slice %arg7[%add3A_42, %dma_wait3A_103] : memref<16384x128xf32, #tpu.memory_space<hbm>> -> memref<128x128xf32, #tpu.memory_space<hbm>>
      tpu.wait_dma2 semaphore(%run_scoped3A : memref<!tpu.dma_semaphore, #tpu.memory_space<semaphore_mem>>) src(%arg10 : memref<128x128xf32, #tpu.memory_space<vmem>>) dst(%dma_wait3A_104 : memref<128x128xf32, #tpu.memory_space<hbm>>)
      tpu.yield
    }) : () -> ()
    %add3A_49 = arith.constant 256 : i32
    %add3A_50 = arith.addi %mul3A_2, %add3A_49 : i32
    "tpu.region"() ({
      %run_scoped3A = tpu.sem_alloc : memref<!tpu.dma_semaphore, #tpu.memory_space<semaphore_mem>>
      %dma_start3A_97 = tpu.memref_slice %arg4[%add3A_50] : memref<16384xi32, #tpu.memory_space<hbm>> -> memref<128xi32, #tpu.memory_space<hbm>>
      %dma_start3A_98 = tpu.memref_slice %arg4[%add3A_50] : memref<16384xi32, #tpu.memory_space<hbm>> -> memref<128xi32, #tpu.memory_space<hbm>>
      tpu.enqueue_dma source(%dma_start3A_98 : memref<128xi32, #tpu.memory_space<hbm>>) target(%arg9 : memref<128xi32, #tpu.memory_space<vmem>>) target_semaphore(%run_scoped3A : memref<!tpu.dma_semaphore, #tpu.memory_space<semaphore_mem>>)
      %dma_wait3A_99 = tpu.memref_slice %arg4[%add3A_50] : memref<16384xi32, #tpu.memory_space<hbm>> -> memref<128xi32, #tpu.memory_space<hbm>>
      %dma_wait3A_100 = tpu.memref_slice %arg4[%add3A_50] : memref<16384xi32, #tpu.memory_space<hbm>> -> memref<128xi32, #tpu.memory_space<hbm>>
      tpu.wait_dma2 semaphore(%run_scoped3A : memref<!tpu.dma_semaphore, #tpu.memory_space<semaphore_mem>>) src(%dma_wait3A_100 : memref<128xi32, #tpu.memory_space<hbm>>) dst(%arg9 : memref<128xi32, #tpu.memory_space<vmem>>)
      tpu.yield
    }) : () -> ()
    %dma_start3A_51 = arith.constant 0 : i32
    %dma_start3A_52 = arith.constant 0 : i32
    %dma_start3A_53 = tpu.memref_slice %arg2[%dma_start3A_51, %dma_start3A_52] : memref<100000x128xf32, #tpu.memory_space<hbm>> -> memref<100000x128xf32, #tpu.memory_space<hbm>>
    tpu.enqueue_indirect_dma source(%dma_start3A_53 : memref<100000x128xf32, #tpu.memory_space<hbm>>) target(%arg10 : memref<128x128xf32, #tpu.memory_space<vmem>>) offsets(%arg9 : memref<128xi32, #tpu.memory_space<vmem>>) semaphore(%arg11 : memref<!tpu.dma_semaphore, #tpu.memory_space<semaphore_mem>>)
    %dma_wait3A_54 = arith.constant 0 : i32
    %dma_wait3A_55 = arith.constant 0 : i32
    %dma_wait3A_56 = tpu.memref_slice %arg2[%dma_wait3A_54, %dma_wait3A_55] : memref<100000x128xf32, #tpu.memory_space<hbm>> -> memref<100000x128xf32, #tpu.memory_space<hbm>>
    tpu.wait_indirect_dma semaphore(%arg11 : memref<!tpu.dma_semaphore, #tpu.memory_space<semaphore_mem>>) src(%dma_wait3A_56 : memref<100000x128xf32, #tpu.memory_space<hbm>>) dst(%arg10 : memref<128x128xf32, #tpu.memory_space<vmem>>)
    "tpu.region"() ({
      %run_scoped3A = tpu.sem_alloc : memref<!tpu.dma_semaphore, #tpu.memory_space<semaphore_mem>>
      %dma_start3A_97 = arith.constant 0 : i32
      %dma_start3A_98 = tpu.memref_slice %arg7[%add3A_50, %dma_start3A_97] : memref<16384x128xf32, #tpu.memory_space<hbm>> -> memref<128x128xf32, #tpu.memory_space<hbm>>
      %dma_start3A_99 = arith.constant 0 : i32
      %dma_start3A_100 = tpu.memref_slice %arg7[%add3A_50, %dma_start3A_99] : memref<16384x128xf32, #tpu.memory_space<hbm>> -> memref<128x128xf32, #tpu.memory_space<hbm>>
      tpu.enqueue_dma source(%arg10 : memref<128x128xf32, #tpu.memory_space<vmem>>) target(%dma_start3A_100 : memref<128x128xf32, #tpu.memory_space<hbm>>) target_semaphore(%run_scoped3A : memref<!tpu.dma_semaphore, #tpu.memory_space<semaphore_mem>>)
      %dma_wait3A_101 = arith.constant 0 : i32
      %dma_wait3A_102 = tpu.memref_slice %arg7[%add3A_50, %dma_wait3A_101] : memref<16384x128xf32, #tpu.memory_space<hbm>> -> memref<128x128xf32, #tpu.memory_space<hbm>>
      %dma_wait3A_103 = arith.constant 0 : i32
      %dma_wait3A_104 = tpu.memref_slice %arg7[%add3A_50, %dma_wait3A_103] : memref<16384x128xf32, #tpu.memory_space<hbm>> -> memref<128x128xf32, #tpu.memory_space<hbm>>
      tpu.wait_dma2 semaphore(%run_scoped3A : memref<!tpu.dma_semaphore, #tpu.memory_space<semaphore_mem>>) src(%arg10 : memref<128x128xf32, #tpu.memory_space<vmem>>) dst(%dma_wait3A_104 : memref<128x128xf32, #tpu.memory_space<hbm>>)
      tpu.yield
    }) : () -> ()
    %add3A_57 = arith.constant 384 : i32
    %add3A_58 = arith.addi %mul3A_2, %add3A_57 : i32
    "tpu.region"() ({
      %run_scoped3A = tpu.sem_alloc : memref<!tpu.dma_semaphore, #tpu.memory_space<semaphore_mem>>
      %dma_start3A_97 = tpu.memref_slice %arg4[%add3A_58] : memref<16384xi32, #tpu.memory_space<hbm>> -> memref<128xi32, #tpu.memory_space<hbm>>
      %dma_start3A_98 = tpu.memref_slice %arg4[%add3A_58] : memref<16384xi32, #tpu.memory_space<hbm>> -> memref<128xi32, #tpu.memory_space<hbm>>
      tpu.enqueue_dma source(%dma_start3A_98 : memref<128xi32, #tpu.memory_space<hbm>>) target(%arg9 : memref<128xi32, #tpu.memory_space<vmem>>) target_semaphore(%run_scoped3A : memref<!tpu.dma_semaphore, #tpu.memory_space<semaphore_mem>>)
      %dma_wait3A_99 = tpu.memref_slice %arg4[%add3A_58] : memref<16384xi32, #tpu.memory_space<hbm>> -> memref<128xi32, #tpu.memory_space<hbm>>
      %dma_wait3A_100 = tpu.memref_slice %arg4[%add3A_58] : memref<16384xi32, #tpu.memory_space<hbm>> -> memref<128xi32, #tpu.memory_space<hbm>>
      tpu.wait_dma2 semaphore(%run_scoped3A : memref<!tpu.dma_semaphore, #tpu.memory_space<semaphore_mem>>) src(%dma_wait3A_100 : memref<128xi32, #tpu.memory_space<hbm>>) dst(%arg9 : memref<128xi32, #tpu.memory_space<vmem>>)
      tpu.yield
    }) : () -> ()
    %dma_start3A_59 = arith.constant 0 : i32
    %dma_start3A_60 = arith.constant 0 : i32
    %dma_start3A_61 = tpu.memref_slice %arg2[%dma_start3A_59, %dma_start3A_60] : memref<100000x128xf32, #tpu.memory_space<hbm>> -> memref<100000x128xf32, #tpu.memory_space<hbm>>
    tpu.enqueue_indirect_dma source(%dma_start3A_61 : memref<100000x128xf32, #tpu.memory_space<hbm>>) target(%arg10 : memref<128x128xf32, #tpu.memory_space<vmem>>) offsets(%arg9 : memref<128xi32, #tpu.memory_space<vmem>>) semaphore(%arg11 : memref<!tpu.dma_semaphore, #tpu.memory_space<semaphore_mem>>)
    %dma_wait3A_62 = arith.constant 0 : i32
    %dma_wait3A_63 = arith.constant 0 : i32
    %dma_wait3A_64 = tpu.memref_slice %arg2[%dma_wait3A_62, %dma_wait3A_63] : memref<100000x128xf32, #tpu.memory_space<hbm>> -> memref<100000x128xf32, #tpu.memory_space<hbm>>
    tpu.wait_indirect_dma semaphore(%arg11 : memref<!tpu.dma_semaphore, #tpu.memory_space<semaphore_mem>>) src(%dma_wait3A_64 : memref<100000x128xf32, #tpu.memory_space<hbm>>) dst(%arg10 : memref<128x128xf32, #tpu.memory_space<vmem>>)
    "tpu.region"() ({
      %run_scoped3A = tpu.sem_alloc : memref<!tpu.dma_semaphore, #tpu.memory_space<semaphore_mem>>
      %dma_start3A_97 = arith.constant 0 : i32
      %dma_start3A_98 = tpu.memref_slice %arg7[%add3A_58, %dma_start3A_97] : memref<16384x128xf32, #tpu.memory_space<hbm>> -> memref<128x128xf32, #tpu.memory_space<hbm>>
      %dma_start3A_99 = arith.constant 0 : i32
      %dma_start3A_100 = tpu.memref_slice %arg7[%add3A_58, %dma_start3A_99] : memref<16384x128xf32, #tpu.memory_space<hbm>> -> memref<128x128xf32, #tpu.memory_space<hbm>>
      tpu.enqueue_dma source(%arg10 : memref<128x128xf32, #tpu.memory_space<vmem>>) target(%dma_start3A_100 : memref<128x128xf32, #tpu.memory_space<hbm>>) target_semaphore(%run_scoped3A : memref<!tpu.dma_semaphore, #tpu.memory_space<semaphore_mem>>)
      %dma_wait3A_101 = arith.constant 0 : i32
      %dma_wait3A_102 = tpu.memref_slice %arg7[%add3A_58, %dma_wait3A_101] : memref<16384x128xf32, #tpu.memory_space<hbm>> -> memref<128x128xf32, #tpu.memory_space<hbm>>
      %dma_wait3A_103 = arith.constant 0 : i32
      %dma_wait3A_104 = tpu.memref_slice %arg7[%add3A_58, %dma_wait3A_103] : memref<16384x128xf32, #tpu.memory_space<hbm>> -> memref<128x128xf32, #tpu.memory_space<hbm>>
      tpu.wait_dma2 semaphore(%run_scoped3A : memref<!tpu.dma_semaphore, #tpu.memory_space<semaphore_mem>>) src(%arg10 : memref<128x128xf32, #tpu.memory_space<vmem>>) dst(%dma_wait3A_104 : memref<128x128xf32, #tpu.memory_space<hbm>>)
      tpu.yield
    }) : () -> ()
    %add3A_65 = arith.constant 0 : i32
    %add3A_66 = arith.addi %mul3A_2, %add3A_65 : i32
    "tpu.region"() ({
      %run_scoped3A = tpu.sem_alloc : memref<!tpu.dma_semaphore, #tpu.memory_space<semaphore_mem>>
      %dma_start3A_97 = tpu.memref_slice %arg5[%add3A_66] : memref<16384xi32, #tpu.memory_space<hbm>> -> memref<128xi32, #tpu.memory_space<hbm>>
      %dma_start3A_98 = tpu.memref_slice %arg5[%add3A_66] : memref<16384xi32, #tpu.memory_space<hbm>> -> memref<128xi32, #tpu.memory_space<hbm>>
      tpu.enqueue_dma source(%dma_start3A_98 : memref<128xi32, #tpu.memory_space<hbm>>) target(%arg9 : memref<128xi32, #tpu.memory_space<vmem>>) target_semaphore(%run_scoped3A : memref<!tpu.dma_semaphore, #tpu.memory_space<semaphore_mem>>)
      %dma_wait3A_99 = tpu.memref_slice %arg5[%add3A_66] : memref<16384xi32, #tpu.memory_space<hbm>> -> memref<128xi32, #tpu.memory_space<hbm>>
      %dma_wait3A_100 = tpu.memref_slice %arg5[%add3A_66] : memref<16384xi32, #tpu.memory_space<hbm>> -> memref<128xi32, #tpu.memory_space<hbm>>
      tpu.wait_dma2 semaphore(%run_scoped3A : memref<!tpu.dma_semaphore, #tpu.memory_space<semaphore_mem>>) src(%dma_wait3A_100 : memref<128xi32, #tpu.memory_space<hbm>>) dst(%arg9 : memref<128xi32, #tpu.memory_space<vmem>>)
      tpu.yield
    }) : () -> ()
    %dma_start3A_67 = arith.constant 0 : i32
    %dma_start3A_68 = arith.constant 0 : i32
    %dma_start3A_69 = tpu.memref_slice %arg2[%dma_start3A_67, %dma_start3A_68] : memref<100000x128xf32, #tpu.memory_space<hbm>> -> memref<100000x128xf32, #tpu.memory_space<hbm>>
    tpu.enqueue_indirect_dma source(%dma_start3A_69 : memref<100000x128xf32, #tpu.memory_space<hbm>>) target(%arg10 : memref<128x128xf32, #tpu.memory_space<vmem>>) offsets(%arg9 : memref<128xi32, #tpu.memory_space<vmem>>) semaphore(%arg11 : memref<!tpu.dma_semaphore, #tpu.memory_space<semaphore_mem>>)
    %dma_wait3A_70 = arith.constant 0 : i32
    %dma_wait3A_71 = arith.constant 0 : i32
    %dma_wait3A_72 = tpu.memref_slice %arg2[%dma_wait3A_70, %dma_wait3A_71] : memref<100000x128xf32, #tpu.memory_space<hbm>> -> memref<100000x128xf32, #tpu.memory_space<hbm>>
    tpu.wait_indirect_dma semaphore(%arg11 : memref<!tpu.dma_semaphore, #tpu.memory_space<semaphore_mem>>) src(%dma_wait3A_72 : memref<100000x128xf32, #tpu.memory_space<hbm>>) dst(%arg10 : memref<128x128xf32, #tpu.memory_space<vmem>>)
    "tpu.region"() ({
      %run_scoped3A = tpu.sem_alloc : memref<!tpu.dma_semaphore, #tpu.memory_space<semaphore_mem>>
      %dma_start3A_97 = arith.constant 0 : i32
      %dma_start3A_98 = tpu.memref_slice %arg8[%add3A_66, %dma_start3A_97] : memref<16384x128xf32, #tpu.memory_space<hbm>> -> memref<128x128xf32, #tpu.memory_space<hbm>>
      %dma_start3A_99 = arith.constant 0 : i32
      %dma_start3A_100 = tpu.memref_slice %arg8[%add3A_66, %dma_start3A_99] : memref<16384x128xf32, #tpu.memory_space<hbm>> -> memref<128x128xf32, #tpu.memory_space<hbm>>
      tpu.enqueue_dma source(%arg10 : memref<128x128xf32, #tpu.memory_space<vmem>>) target(%dma_start3A_100 : memref<128x128xf32, #tpu.memory_space<hbm>>) target_semaphore(%run_scoped3A : memref<!tpu.dma_semaphore, #tpu.memory_space<semaphore_mem>>)
      %dma_wait3A_101 = arith.constant 0 : i32
      %dma_wait3A_102 = tpu.memref_slice %arg8[%add3A_66, %dma_wait3A_101] : memref<16384x128xf32, #tpu.memory_space<hbm>> -> memref<128x128xf32, #tpu.memory_space<hbm>>
      %dma_wait3A_103 = arith.constant 0 : i32
      %dma_wait3A_104 = tpu.memref_slice %arg8[%add3A_66, %dma_wait3A_103] : memref<16384x128xf32, #tpu.memory_space<hbm>> -> memref<128x128xf32, #tpu.memory_space<hbm>>
      tpu.wait_dma2 semaphore(%run_scoped3A : memref<!tpu.dma_semaphore, #tpu.memory_space<semaphore_mem>>) src(%arg10 : memref<128x128xf32, #tpu.memory_space<vmem>>) dst(%dma_wait3A_104 : memref<128x128xf32, #tpu.memory_space<hbm>>)
      tpu.yield
    }) : () -> ()
    %add3A_73 = arith.constant 128 : i32
    %add3A_74 = arith.addi %mul3A_2, %add3A_73 : i32
    "tpu.region"() ({
      %run_scoped3A = tpu.sem_alloc : memref<!tpu.dma_semaphore, #tpu.memory_space<semaphore_mem>>
      %dma_start3A_97 = tpu.memref_slice %arg5[%add3A_74] : memref<16384xi32, #tpu.memory_space<hbm>> -> memref<128xi32, #tpu.memory_space<hbm>>
      %dma_start3A_98 = tpu.memref_slice %arg5[%add3A_74] : memref<16384xi32, #tpu.memory_space<hbm>> -> memref<128xi32, #tpu.memory_space<hbm>>
      tpu.enqueue_dma source(%dma_start3A_98 : memref<128xi32, #tpu.memory_space<hbm>>) target(%arg9 : memref<128xi32, #tpu.memory_space<vmem>>) target_semaphore(%run_scoped3A : memref<!tpu.dma_semaphore, #tpu.memory_space<semaphore_mem>>)
      %dma_wait3A_99 = tpu.memref_slice %arg5[%add3A_74] : memref<16384xi32, #tpu.memory_space<hbm>> -> memref<128xi32, #tpu.memory_space<hbm>>
      %dma_wait3A_100 = tpu.memref_slice %arg5[%add3A_74] : memref<16384xi32, #tpu.memory_space<hbm>> -> memref<128xi32, #tpu.memory_space<hbm>>
      tpu.wait_dma2 semaphore(%run_scoped3A : memref<!tpu.dma_semaphore, #tpu.memory_space<semaphore_mem>>) src(%dma_wait3A_100 : memref<128xi32, #tpu.memory_space<hbm>>) dst(%arg9 : memref<128xi32, #tpu.memory_space<vmem>>)
      tpu.yield
    }) : () -> ()
    %dma_start3A_75 = arith.constant 0 : i32
    %dma_start3A_76 = arith.constant 0 : i32
    %dma_start3A_77 = tpu.memref_slice %arg2[%dma_start3A_75, %dma_start3A_76] : memref<100000x128xf32, #tpu.memory_space<hbm>> -> memref<100000x128xf32, #tpu.memory_space<hbm>>
    tpu.enqueue_indirect_dma source(%dma_start3A_77 : memref<100000x128xf32, #tpu.memory_space<hbm>>) target(%arg10 : memref<128x128xf32, #tpu.memory_space<vmem>>) offsets(%arg9 : memref<128xi32, #tpu.memory_space<vmem>>) semaphore(%arg11 : memref<!tpu.dma_semaphore, #tpu.memory_space<semaphore_mem>>)
    %dma_wait3A_78 = arith.constant 0 : i32
    %dma_wait3A_79 = arith.constant 0 : i32
    %dma_wait3A_80 = tpu.memref_slice %arg2[%dma_wait3A_78, %dma_wait3A_79] : memref<100000x128xf32, #tpu.memory_space<hbm>> -> memref<100000x128xf32, #tpu.memory_space<hbm>>
    tpu.wait_indirect_dma semaphore(%arg11 : memref<!tpu.dma_semaphore, #tpu.memory_space<semaphore_mem>>) src(%dma_wait3A_80 : memref<100000x128xf32, #tpu.memory_space<hbm>>) dst(%arg10 : memref<128x128xf32, #tpu.memory_space<vmem>>)
    "tpu.region"() ({
      %run_scoped3A = tpu.sem_alloc : memref<!tpu.dma_semaphore, #tpu.memory_space<semaphore_mem>>
      %dma_start3A_97 = arith.constant 0 : i32
      %dma_start3A_98 = tpu.memref_slice %arg8[%add3A_74, %dma_start3A_97] : memref<16384x128xf32, #tpu.memory_space<hbm>> -> memref<128x128xf32, #tpu.memory_space<hbm>>
      %dma_start3A_99 = arith.constant 0 : i32
      %dma_start3A_100 = tpu.memref_slice %arg8[%add3A_74, %dma_start3A_99] : memref<16384x128xf32, #tpu.memory_space<hbm>> -> memref<128x128xf32, #tpu.memory_space<hbm>>
      tpu.enqueue_dma source(%arg10 : memref<128x128xf32, #tpu.memory_space<vmem>>) target(%dma_start3A_100 : memref<128x128xf32, #tpu.memory_space<hbm>>) target_semaphore(%run_scoped3A : memref<!tpu.dma_semaphore, #tpu.memory_space<semaphore_mem>>)
      %dma_wait3A_101 = arith.constant 0 : i32
      %dma_wait3A_102 = tpu.memref_slice %arg8[%add3A_74, %dma_wait3A_101] : memref<16384x128xf32, #tpu.memory_space<hbm>> -> memref<128x128xf32, #tpu.memory_space<hbm>>
      %dma_wait3A_103 = arith.constant 0 : i32
      %dma_wait3A_104 = tpu.memref_slice %arg8[%add3A_74, %dma_wait3A_103] : memref<16384x128xf32, #tpu.memory_space<hbm>> -> memref<128x128xf32, #tpu.memory_space<hbm>>
      tpu.wait_dma2 semaphore(%run_scoped3A : memref<!tpu.dma_semaphore, #tpu.memory_space<semaphore_mem>>) src(%arg10 : memref<128x128xf32, #tpu.memory_space<vmem>>) dst(%dma_wait3A_104 : memref<128x128xf32, #tpu.memory_space<hbm>>)
      tpu.yield
    }) : () -> ()
    %add3A_81 = arith.constant 256 : i32
    %add3A_82 = arith.addi %mul3A_2, %add3A_81 : i32
    "tpu.region"() ({
      %run_scoped3A = tpu.sem_alloc : memref<!tpu.dma_semaphore, #tpu.memory_space<semaphore_mem>>
      %dma_start3A_97 = tpu.memref_slice %arg5[%add3A_82] : memref<16384xi32, #tpu.memory_space<hbm>> -> memref<128xi32, #tpu.memory_space<hbm>>
      %dma_start3A_98 = tpu.memref_slice %arg5[%add3A_82] : memref<16384xi32, #tpu.memory_space<hbm>> -> memref<128xi32, #tpu.memory_space<hbm>>
      tpu.enqueue_dma source(%dma_start3A_98 : memref<128xi32, #tpu.memory_space<hbm>>) target(%arg9 : memref<128xi32, #tpu.memory_space<vmem>>) target_semaphore(%run_scoped3A : memref<!tpu.dma_semaphore, #tpu.memory_space<semaphore_mem>>)
      %dma_wait3A_99 = tpu.memref_slice %arg5[%add3A_82] : memref<16384xi32, #tpu.memory_space<hbm>> -> memref<128xi32, #tpu.memory_space<hbm>>
      %dma_wait3A_100 = tpu.memref_slice %arg5[%add3A_82] : memref<16384xi32, #tpu.memory_space<hbm>> -> memref<128xi32, #tpu.memory_space<hbm>>
      tpu.wait_dma2 semaphore(%run_scoped3A : memref<!tpu.dma_semaphore, #tpu.memory_space<semaphore_mem>>) src(%dma_wait3A_100 : memref<128xi32, #tpu.memory_space<hbm>>) dst(%arg9 : memref<128xi32, #tpu.memory_space<vmem>>)
      tpu.yield
    }) : () -> ()
    %dma_start3A_83 = arith.constant 0 : i32
    %dma_start3A_84 = arith.constant 0 : i32
    %dma_start3A_85 = tpu.memref_slice %arg2[%dma_start3A_83, %dma_start3A_84] : memref<100000x128xf32, #tpu.memory_space<hbm>> -> memref<100000x128xf32, #tpu.memory_space<hbm>>
    tpu.enqueue_indirect_dma source(%dma_start3A_85 : memref<100000x128xf32, #tpu.memory_space<hbm>>) target(%arg10 : memref<128x128xf32, #tpu.memory_space<vmem>>) offsets(%arg9 : memref<128xi32, #tpu.memory_space<vmem>>) semaphore(%arg11 : memref<!tpu.dma_semaphore, #tpu.memory_space<semaphore_mem>>)
    %dma_wait3A_86 = arith.constant 0 : i32
    %dma_wait3A_87 = arith.constant 0 : i32
    %dma_wait3A_88 = tpu.memref_slice %arg2[%dma_wait3A_86, %dma_wait3A_87] : memref<100000x128xf32, #tpu.memory_space<hbm>> -> memref<100000x128xf32, #tpu.memory_space<hbm>>
    tpu.wait_indirect_dma semaphore(%arg11 : memref<!tpu.dma_semaphore, #tpu.memory_space<semaphore_mem>>) src(%dma_wait3A_88 : memref<100000x128xf32, #tpu.memory_space<hbm>>) dst(%arg10 : memref<128x128xf32, #tpu.memory_space<vmem>>)
    "tpu.region"() ({
      %run_scoped3A = tpu.sem_alloc : memref<!tpu.dma_semaphore, #tpu.memory_space<semaphore_mem>>
      %dma_start3A_97 = arith.constant 0 : i32
      %dma_start3A_98 = tpu.memref_slice %arg8[%add3A_82, %dma_start3A_97] : memref<16384x128xf32, #tpu.memory_space<hbm>> -> memref<128x128xf32, #tpu.memory_space<hbm>>
      %dma_start3A_99 = arith.constant 0 : i32
      %dma_start3A_100 = tpu.memref_slice %arg8[%add3A_82, %dma_start3A_99] : memref<16384x128xf32, #tpu.memory_space<hbm>> -> memref<128x128xf32, #tpu.memory_space<hbm>>
      tpu.enqueue_dma source(%arg10 : memref<128x128xf32, #tpu.memory_space<vmem>>) target(%dma_start3A_100 : memref<128x128xf32, #tpu.memory_space<hbm>>) target_semaphore(%run_scoped3A : memref<!tpu.dma_semaphore, #tpu.memory_space<semaphore_mem>>)
      %dma_wait3A_101 = arith.constant 0 : i32
      %dma_wait3A_102 = tpu.memref_slice %arg8[%add3A_82, %dma_wait3A_101] : memref<16384x128xf32, #tpu.memory_space<hbm>> -> memref<128x128xf32, #tpu.memory_space<hbm>>
      %dma_wait3A_103 = arith.constant 0 : i32
      %dma_wait3A_104 = tpu.memref_slice %arg8[%add3A_82, %dma_wait3A_103] : memref<16384x128xf32, #tpu.memory_space<hbm>> -> memref<128x128xf32, #tpu.memory_space<hbm>>
      tpu.wait_dma2 semaphore(%run_scoped3A : memref<!tpu.dma_semaphore, #tpu.memory_space<semaphore_mem>>) src(%arg10 : memref<128x128xf32, #tpu.memory_space<vmem>>) dst(%dma_wait3A_104 : memref<128x128xf32, #tpu.memory_space<hbm>>)
      tpu.yield
    }) : () -> ()
    %add3A_89 = arith.constant 384 : i32
    %add3A_90 = arith.addi %mul3A_2, %add3A_89 : i32
    "tpu.region"() ({
      %run_scoped3A = tpu.sem_alloc : memref<!tpu.dma_semaphore, #tpu.memory_space<semaphore_mem>>
      %dma_start3A_97 = tpu.memref_slice %arg5[%add3A_90] : memref<16384xi32, #tpu.memory_space<hbm>> -> memref<128xi32, #tpu.memory_space<hbm>>
      %dma_start3A_98 = tpu.memref_slice %arg5[%add3A_90] : memref<16384xi32, #tpu.memory_space<hbm>> -> memref<128xi32, #tpu.memory_space<hbm>>
      tpu.enqueue_dma source(%dma_start3A_98 : memref<128xi32, #tpu.memory_space<hbm>>) target(%arg9 : memref<128xi32, #tpu.memory_space<vmem>>) target_semaphore(%run_scoped3A : memref<!tpu.dma_semaphore, #tpu.memory_space<semaphore_mem>>)
      %dma_wait3A_99 = tpu.memref_slice %arg5[%add3A_90] : memref<16384xi32, #tpu.memory_space<hbm>> -> memref<128xi32, #tpu.memory_space<hbm>>
      %dma_wait3A_100 = tpu.memref_slice %arg5[%add3A_90] : memref<16384xi32, #tpu.memory_space<hbm>> -> memref<128xi32, #tpu.memory_space<hbm>>
      tpu.wait_dma2 semaphore(%run_scoped3A : memref<!tpu.dma_semaphore, #tpu.memory_space<semaphore_mem>>) src(%dma_wait3A_100 : memref<128xi32, #tpu.memory_space<hbm>>) dst(%arg9 : memref<128xi32, #tpu.memory_space<vmem>>)
      tpu.yield
    }) : () -> ()
    %dma_start3A_91 = arith.constant 0 : i32
    %dma_start3A_92 = arith.constant 0 : i32
    %dma_start3A_93 = tpu.memref_slice %arg2[%dma_start3A_91, %dma_start3A_92] : memref<100000x128xf32, #tpu.memory_space<hbm>> -> memref<100000x128xf32, #tpu.memory_space<hbm>>
    tpu.enqueue_indirect_dma source(%dma_start3A_93 : memref<100000x128xf32, #tpu.memory_space<hbm>>) target(%arg10 : memref<128x128xf32, #tpu.memory_space<vmem>>) offsets(%arg9 : memref<128xi32, #tpu.memory_space<vmem>>) semaphore(%arg11 : memref<!tpu.dma_semaphore, #tpu.memory_space<semaphore_mem>>)
    %dma_wait3A_94 = arith.constant 0 : i32
    %dma_wait3A_95 = arith.constant 0 : i32
    %dma_wait3A_96 = tpu.memref_slice %arg2[%dma_wait3A_94, %dma_wait3A_95] : memref<100000x128xf32, #tpu.memory_space<hbm>> -> memref<100000x128xf32, #tpu.memory_space<hbm>>
    tpu.wait_indirect_dma semaphore(%arg11 : memref<!tpu.dma_semaphore, #tpu.memory_space<semaphore_mem>>) src(%dma_wait3A_96 : memref<100000x128xf32, #tpu.memory_space<hbm>>) dst(%arg10 : memref<128x128xf32, #tpu.memory_space<vmem>>)
    "tpu.region"() ({
      %run_scoped3A = tpu.sem_alloc : memref<!tpu.dma_semaphore, #tpu.memory_space<semaphore_mem>>
      %dma_start3A_97 = arith.constant 0 : i32
      %dma_start3A_98 = tpu.memref_slice %arg8[%add3A_90, %dma_start3A_97] : memref<16384x128xf32, #tpu.memory_space<hbm>> -> memref<128x128xf32, #tpu.memory_space<hbm>>
      %dma_start3A_99 = arith.constant 0 : i32
      %dma_start3A_100 = tpu.memref_slice %arg8[%add3A_90, %dma_start3A_99] : memref<16384x128xf32, #tpu.memory_space<hbm>> -> memref<128x128xf32, #tpu.memory_space<hbm>>
      tpu.enqueue_dma source(%arg10 : memref<128x128xf32, #tpu.memory_space<vmem>>) target(%dma_start3A_100 : memref<128x128xf32, #tpu.memory_space<hbm>>) target_semaphore(%run_scoped3A : memref<!tpu.dma_semaphore, #tpu.memory_space<semaphore_mem>>)
      %dma_wait3A_101 = arith.constant 0 : i32
      %dma_wait3A_102 = tpu.memref_slice %arg8[%add3A_90, %dma_wait3A_101] : memref<16384x128xf32, #tpu.memory_space<hbm>> -> memref<128x128xf32, #tpu.memory_space<hbm>>
      %dma_wait3A_103 = arith.constant 0 : i32
      %dma_wait3A_104 = tpu.memref_slice %arg8[%add3A_90, %dma_wait3A_103] : memref<16384x128xf32, #tpu.memory_space<hbm>> -> memref<128x128xf32, #tpu.memory_space<hbm>>
      tpu.wait_dma2 semaphore(%run_scoped3A : memref<!tpu.dma_semaphore, #tpu.memory_space<semaphore_mem>>) src(%arg10 : memref<128x128xf32, #tpu.memory_space<vmem>>) dst(%dma_wait3A_104 : memref<128x128xf32, #tpu.memory_space<hbm>>)
      tpu.yield
    }) : () -> ()
    return
  }
}

module attributes {stable_mosaic.version = 14 : i64} {
  func.func @_tc_body(%arg0: i32, %arg1: memref<512x1xi32, #tpu.memory_space<vmem>>, %arg2: memref<512x128xf32, #tpu.memory_space<vmem>>, %arg3: memref<512x128xf32, #tpu.memory_space<vmem>>, %arg4: memref<512x128xf32, #tpu.memory_space<vmem>>, %arg5: memref<64x128xf32, #tpu.memory_space<vmem>>, %arg6: memref<16x512x128xbf16, #tpu.memory_space<vmem>>, %arg7: memref<1x1xf32, #tpu.memory_space<smem>>) attributes {dimension_semantics = [#tpu.dimension_semantics<arbitrary>], iteration_bounds = array<i64: 32>, scalar_prefetch = 0 : i64, scratch_operands = 0 : i64, tpu.core_type = #tpu.core_type<tc>, window_params = [{transform_indices = @transform_0, window_bounds = array<i64: 512, 1>}, {transform_indices = @transform_1, window_bounds = array<i64: 512, 128>}, {transform_indices = @transform_2, window_bounds = array<i64: 512, 128>}, {transform_indices = @transform_3, window_bounds = array<i64: 512, 128>}, {pipeline_mode = #tpu.pipeline_mode<synchronous>, transform_indices = @transform_4, window_bounds = array<i64: 64, 128>}, {pipeline_mode = #tpu.pipeline_mode<synchronous>, transform_indices = @transform_5, window_bounds = array<i64: 16, 512, 128>}, {transform_indices = @transform_6, window_bounds = array<i64: 1, 1>}]} {
    %get3A = arith.constant 0 : index
    %get3A_0 = arith.constant 0 : index
    %get3A_1 = vector.load %arg1[%get3A, %get3A_0] : memref<512x1xi32, #tpu.memory_space<vmem>>, vector<512x1xi32>
    %get3A_2 = arith.constant 0 : index
    %get3A_3 = arith.constant 0 : index
    %get3A_4 = vector.load %arg2[%get3A_2, %get3A_3] : memref<512x128xf32, #tpu.memory_space<vmem>>, vector<512x128xf32>
    %get3A_5 = arith.constant 0 : index
    %get3A_6 = arith.constant 0 : index
    %get3A_7 = vector.load %arg3[%get3A_5, %get3A_6] : memref<512x128xf32, #tpu.memory_space<vmem>>, vector<512x128xf32>
    %get3A_8 = arith.constant 0 : index
    %get3A_9 = arith.constant 0 : index
    %get3A_10 = vector.load %arg4[%get3A_8, %get3A_9] : memref<512x128xf32, #tpu.memory_space<vmem>>, vector<512x128xf32>
    %concatenate3A = tpu.concatenate %get3A_4, %get3A_7, %get3A_10 in 0 : vector<512x128xf32>, vector<512x128xf32>, vector<512x128xf32> -> vector<1536x128xf32>
    %convert_element_type3A = arith.truncf %concatenate3A : vector<1536x128xf32> to vector<1536x128xbf16>
    %concatenate3A_11 = tpu.concatenate %get3A_1, %get3A_1, %get3A_1 in 0 : vector<512x1xi32>, vector<512x1xi32>, vector<512x1xi32> -> vector<1536x1xi32>
    %concatenate3A_12 = tpu.concatenate %convert_element_type3A, %convert_element_type3A, %convert_element_type3A, %convert_element_type3A in 1 : vector<1536x128xbf16>, vector<1536x128xbf16>, vector<1536x128xbf16>, vector<1536x128xbf16> -> vector<1536x512xbf16>
    %iota3A = tpu.iota {dimensions = array<i32: 1>} : vector<1536x512xi32>
    %jit3A = arith.constant 128 : i32
    %div3A = vector.broadcast %jit3A : i32 to vector<1536x512xi32>
    %div3A_13 = arith.divsi %iota3A, %div3A : vector<1536x512xi32>
    %sign3A = arith.constant 0 : i32
    %sign3A_14 = vector.broadcast %sign3A : i32 to vector<1536x512xi32>
    %sign3A_15 = arith.cmpi sgt, %iota3A, %sign3A_14 : vector<1536x512xi32>
    %sign3A_16 = arith.extui %sign3A_15 : vector<1536x512xi1> to vector<1536x512xi32>
    %sign3A_17 = arith.constant 0 : i32
    %sign3A_18 = vector.broadcast %sign3A_17 : i32 to vector<1536x512xi32>
    %sign3A_19 = arith.cmpi slt, %iota3A, %sign3A_18 : vector<1536x512xi32>
    %sign3A_20 = arith.extui %sign3A_19 : vector<1536x512xi1> to vector<1536x512xi32>
    %sign3A_21 = arith.subi %sign3A_16, %sign3A_20 : vector<1536x512xi32>
    %sign3A_22 = arith.constant 0 : i32
    %sign3A_23 = arith.cmpi sgt, %jit3A, %sign3A_22 : i32
    %sign3A_24 = arith.extui %sign3A_23 : i1 to i32
    %sign3A_25 = arith.constant 0 : i32
    %sign3A_26 = arith.cmpi slt, %jit3A, %sign3A_25 : i32
    %sign3A_27 = arith.extui %sign3A_26 : i1 to i32
    %sign3A_28 = arith.subi %sign3A_24, %sign3A_27 : i32
    %ne3A = vector.broadcast %sign3A_28 : i32 to vector<1536x512xi32>
    %ne3A_29 = arith.cmpi ne, %sign3A_21, %ne3A : vector<1536x512xi32>
    %rem3A = vector.broadcast %jit3A : i32 to vector<1536x512xi32>
    %rem3A_30 = arith.remsi %iota3A, %rem3A : vector<1536x512xi32>
    %ne3A_31 = arith.constant 0 : i32
    %ne3A_32 = vector.broadcast %ne3A_31 : i32 to vector<1536x512xi32>
    %ne3A_33 = arith.cmpi ne, %rem3A_30, %ne3A_32 : vector<1536x512xi32>
    %and3A = arith.andi %ne3A_29, %ne3A_33 : vector<1536x512xi1>
    %sub3A = arith.constant 1 : i32
    %sub3A_34 = vector.broadcast %sub3A : i32 to vector<1536x512xi32>
    %sub3A_35 = arith.subi %div3A_13, %sub3A_34 : vector<1536x512xi32>
    %select_n3A = arith.select %and3A, %sub3A_35, %div3A_13 : vector<1536x512xi1>, vector<1536x512xi32>
    %broadcast_in_dim3A = arith.constant 0.000000e+00 : f32
    %broadcast_in_dim3A_36 = vector.broadcast %broadcast_in_dim3A : f32 to vector<1536x128xf32>
    %add3A = arith.constant 0 : i32
    %add3A_37 = vector.broadcast %add3A : i32 to vector<1536x512xi32>
    %add3A_38 = arith.addi %select_n3A, %add3A_37 : vector<1536x512xi32>
    %eq3A = vector.broadcast %concatenate3A_11 : vector<1536x1xi32> to vector<1536x512xi32>
    %eq3A_39 = arith.cmpi eq, %eq3A, %add3A_38 : vector<1536x512xi32>
    %jit3A_40 = arith.constant 0.000000e+00 : bf16
    %broadcast_in_dim3A_41 = vector.broadcast %jit3A_40 : bf16 to vector<1536x512xbf16>
    %select_n3A_42 = arith.select %eq3A_39, %concatenate3A_12, %broadcast_in_dim3A_41 : vector<1536x512xi1>, vector<1536x512xbf16>
    %get3A_43 = arith.constant 0 : index
    %get3A_44 = arith.constant 0 : index
    %get3A_45 = arith.constant 0 : index
    %get3A_46 = vector.load %arg6[%get3A_43, %get3A_44, %get3A_45] : memref<16x512x128xbf16, #tpu.memory_space<vmem>>, vector<1x512x128xbf16>
    %get3A_47 = vector.shape_cast %get3A_46 : vector<1x512x128xbf16> to vector<512x128xbf16>
    %dot_general3A = arith.constant dense<0.000000e+00> : vector<1536x128xf32>
    %dot_general3A_48 = tpu.matmul %select_n3A_42, %get3A_47, %dot_general3A {dimension_numbers = #tpu.dot_dimension_numbers<[1], [0], [0], [1], [0, 0, 1, 1], [], []>, transpose_lhs_hint = false} : vector<1536x512xbf16>, vector<512x128xbf16>, vector<1536x128xf32> -> vector<1536x128xf32>
    %add3A_49 = arith.addf %broadcast_in_dim3A_36, %dot_general3A_48 : vector<1536x128xf32>
    %add3A_50 = arith.constant 4 : i32
    %add3A_51 = vector.broadcast %add3A_50 : i32 to vector<1536x512xi32>
    %add3A_52 = arith.addi %select_n3A, %add3A_51 : vector<1536x512xi32>
    %eq3A_53 = vector.broadcast %concatenate3A_11 : vector<1536x1xi32> to vector<1536x512xi32>
    %eq3A_54 = arith.cmpi eq, %eq3A_53, %add3A_52 : vector<1536x512xi32>
    %jit3A_55 = arith.constant 0.000000e+00 : bf16
    %broadcast_in_dim3A_56 = vector.broadcast %jit3A_55 : bf16 to vector<1536x512xbf16>
    %select_n3A_57 = arith.select %eq3A_54, %concatenate3A_12, %broadcast_in_dim3A_56 : vector<1536x512xi1>, vector<1536x512xbf16>
    %get3A_58 = arith.constant 1 : index
    %get3A_59 = arith.constant 0 : index
    %get3A_60 = arith.constant 0 : index
    %get3A_61 = vector.load %arg6[%get3A_58, %get3A_59, %get3A_60] : memref<16x512x128xbf16, #tpu.memory_space<vmem>>, vector<1x512x128xbf16>
    %get3A_62 = vector.shape_cast %get3A_61 : vector<1x512x128xbf16> to vector<512x128xbf16>
    %dot_general3A_63 = arith.constant dense<0.000000e+00> : vector<1536x128xf32>
    %dot_general3A_64 = tpu.matmul %select_n3A_57, %get3A_62, %dot_general3A_63 {dimension_numbers = #tpu.dot_dimension_numbers<[1], [0], [0], [1], [0, 0, 1, 1], [], []>, transpose_lhs_hint = false} : vector<1536x512xbf16>, vector<512x128xbf16>, vector<1536x128xf32> -> vector<1536x128xf32>
    %add3A_65 = arith.addf %add3A_49, %dot_general3A_64 : vector<1536x128xf32>
    %add3A_66 = arith.constant 8 : i32
    %add3A_67 = vector.broadcast %add3A_66 : i32 to vector<1536x512xi32>
    %add3A_68 = arith.addi %select_n3A, %add3A_67 : vector<1536x512xi32>
    %eq3A_69 = vector.broadcast %concatenate3A_11 : vector<1536x1xi32> to vector<1536x512xi32>
    %eq3A_70 = arith.cmpi eq, %eq3A_69, %add3A_68 : vector<1536x512xi32>
    %jit3A_71 = arith.constant 0.000000e+00 : bf16
    %broadcast_in_dim3A_72 = vector.broadcast %jit3A_71 : bf16 to vector<1536x512xbf16>
    %select_n3A_73 = arith.select %eq3A_70, %concatenate3A_12, %broadcast_in_dim3A_72 : vector<1536x512xi1>, vector<1536x512xbf16>
    %get3A_74 = arith.constant 2 : index
    %get3A_75 = arith.constant 0 : index
    %get3A_76 = arith.constant 0 : index
    %get3A_77 = vector.load %arg6[%get3A_74, %get3A_75, %get3A_76] : memref<16x512x128xbf16, #tpu.memory_space<vmem>>, vector<1x512x128xbf16>
    %get3A_78 = vector.shape_cast %get3A_77 : vector<1x512x128xbf16> to vector<512x128xbf16>
    %dot_general3A_79 = arith.constant dense<0.000000e+00> : vector<1536x128xf32>
    %dot_general3A_80 = tpu.matmul %select_n3A_73, %get3A_78, %dot_general3A_79 {dimension_numbers = #tpu.dot_dimension_numbers<[1], [0], [0], [1], [0, 0, 1, 1], [], []>, transpose_lhs_hint = false} : vector<1536x512xbf16>, vector<512x128xbf16>, vector<1536x128xf32> -> vector<1536x128xf32>
    %add3A_81 = arith.addf %add3A_65, %dot_general3A_80 : vector<1536x128xf32>
    %add3A_82 = arith.constant 12 : i32
    %add3A_83 = vector.broadcast %add3A_82 : i32 to vector<1536x512xi32>
    %add3A_84 = arith.addi %select_n3A, %add3A_83 : vector<1536x512xi32>
    %eq3A_85 = vector.broadcast %concatenate3A_11 : vector<1536x1xi32> to vector<1536x512xi32>
    %eq3A_86 = arith.cmpi eq, %eq3A_85, %add3A_84 : vector<1536x512xi32>
    %jit3A_87 = arith.constant 0.000000e+00 : bf16
    %broadcast_in_dim3A_88 = vector.broadcast %jit3A_87 : bf16 to vector<1536x512xbf16>
    %select_n3A_89 = arith.select %eq3A_86, %concatenate3A_12, %broadcast_in_dim3A_88 : vector<1536x512xi1>, vector<1536x512xbf16>
    %get3A_90 = arith.constant 3 : index
    %get3A_91 = arith.constant 0 : index
    %get3A_92 = arith.constant 0 : index
    %get3A_93 = vector.load %arg6[%get3A_90, %get3A_91, %get3A_92] : memref<16x512x128xbf16, #tpu.memory_space<vmem>>, vector<1x512x128xbf16>
    %get3A_94 = vector.shape_cast %get3A_93 : vector<1x512x128xbf16> to vector<512x128xbf16>
    %dot_general3A_95 = arith.constant dense<0.000000e+00> : vector<1536x128xf32>
    %dot_general3A_96 = tpu.matmul %select_n3A_89, %get3A_94, %dot_general3A_95 {dimension_numbers = #tpu.dot_dimension_numbers<[1], [0], [0], [1], [0, 0, 1, 1], [], []>, transpose_lhs_hint = false} : vector<1536x512xbf16>, vector<512x128xbf16>, vector<1536x128xf32> -> vector<1536x128xf32>
    %add3A_97 = arith.addf %add3A_81, %dot_general3A_96 : vector<1536x128xf32>
    %add3A_98 = arith.constant 16 : i32
    %add3A_99 = vector.broadcast %add3A_98 : i32 to vector<1536x512xi32>
    %add3A_100 = arith.addi %select_n3A, %add3A_99 : vector<1536x512xi32>
    %eq3A_101 = vector.broadcast %concatenate3A_11 : vector<1536x1xi32> to vector<1536x512xi32>
    %eq3A_102 = arith.cmpi eq, %eq3A_101, %add3A_100 : vector<1536x512xi32>
    %jit3A_103 = arith.constant 0.000000e+00 : bf16
    %broadcast_in_dim3A_104 = vector.broadcast %jit3A_103 : bf16 to vector<1536x512xbf16>
    %select_n3A_105 = arith.select %eq3A_102, %concatenate3A_12, %broadcast_in_dim3A_104 : vector<1536x512xi1>, vector<1536x512xbf16>
    %get3A_106 = arith.constant 4 : index
    %get3A_107 = arith.constant 0 : index
    %get3A_108 = arith.constant 0 : index
    %get3A_109 = vector.load %arg6[%get3A_106, %get3A_107, %get3A_108] : memref<16x512x128xbf16, #tpu.memory_space<vmem>>, vector<1x512x128xbf16>
    %get3A_110 = vector.shape_cast %get3A_109 : vector<1x512x128xbf16> to vector<512x128xbf16>
    %dot_general3A_111 = arith.constant dense<0.000000e+00> : vector<1536x128xf32>
    %dot_general3A_112 = tpu.matmul %select_n3A_105, %get3A_110, %dot_general3A_111 {dimension_numbers = #tpu.dot_dimension_numbers<[1], [0], [0], [1], [0, 0, 1, 1], [], []>, transpose_lhs_hint = false} : vector<1536x512xbf16>, vector<512x128xbf16>, vector<1536x128xf32> -> vector<1536x128xf32>
    %add3A_113 = arith.addf %add3A_97, %dot_general3A_112 : vector<1536x128xf32>
    %add3A_114 = arith.constant 20 : i32
    %add3A_115 = vector.broadcast %add3A_114 : i32 to vector<1536x512xi32>
    %add3A_116 = arith.addi %select_n3A, %add3A_115 : vector<1536x512xi32>
    %eq3A_117 = vector.broadcast %concatenate3A_11 : vector<1536x1xi32> to vector<1536x512xi32>
    %eq3A_118 = arith.cmpi eq, %eq3A_117, %add3A_116 : vector<1536x512xi32>
    %jit3A_119 = arith.constant 0.000000e+00 : bf16
    %broadcast_in_dim3A_120 = vector.broadcast %jit3A_119 : bf16 to vector<1536x512xbf16>
    %select_n3A_121 = arith.select %eq3A_118, %concatenate3A_12, %broadcast_in_dim3A_120 : vector<1536x512xi1>, vector<1536x512xbf16>
    %get3A_122 = arith.constant 5 : index
    %get3A_123 = arith.constant 0 : index
    %get3A_124 = arith.constant 0 : index
    %get3A_125 = vector.load %arg6[%get3A_122, %get3A_123, %get3A_124] : memref<16x512x128xbf16, #tpu.memory_space<vmem>>, vector<1x512x128xbf16>
    %get3A_126 = vector.shape_cast %get3A_125 : vector<1x512x128xbf16> to vector<512x128xbf16>
    %dot_general3A_127 = arith.constant dense<0.000000e+00> : vector<1536x128xf32>
    %dot_general3A_128 = tpu.matmul %select_n3A_121, %get3A_126, %dot_general3A_127 {dimension_numbers = #tpu.dot_dimension_numbers<[1], [0], [0], [1], [0, 0, 1, 1], [], []>, transpose_lhs_hint = false} : vector<1536x512xbf16>, vector<512x128xbf16>, vector<1536x128xf32> -> vector<1536x128xf32>
    %add3A_129 = arith.addf %add3A_113, %dot_general3A_128 : vector<1536x128xf32>
    %add3A_130 = arith.constant 24 : i32
    %add3A_131 = vector.broadcast %add3A_130 : i32 to vector<1536x512xi32>
    %add3A_132 = arith.addi %select_n3A, %add3A_131 : vector<1536x512xi32>
    %eq3A_133 = vector.broadcast %concatenate3A_11 : vector<1536x1xi32> to vector<1536x512xi32>
    %eq3A_134 = arith.cmpi eq, %eq3A_133, %add3A_132 : vector<1536x512xi32>
    %jit3A_135 = arith.constant 0.000000e+00 : bf16
    %broadcast_in_dim3A_136 = vector.broadcast %jit3A_135 : bf16 to vector<1536x512xbf16>
    %select_n3A_137 = arith.select %eq3A_134, %concatenate3A_12, %broadcast_in_dim3A_136 : vector<1536x512xi1>, vector<1536x512xbf16>
    %get3A_138 = arith.constant 6 : index
    %get3A_139 = arith.constant 0 : index
    %get3A_140 = arith.constant 0 : index
    %get3A_141 = vector.load %arg6[%get3A_138, %get3A_139, %get3A_140] : memref<16x512x128xbf16, #tpu.memory_space<vmem>>, vector<1x512x128xbf16>
    %get3A_142 = vector.shape_cast %get3A_141 : vector<1x512x128xbf16> to vector<512x128xbf16>
    %dot_general3A_143 = arith.constant dense<0.000000e+00> : vector<1536x128xf32>
    %dot_general3A_144 = tpu.matmul %select_n3A_137, %get3A_142, %dot_general3A_143 {dimension_numbers = #tpu.dot_dimension_numbers<[1], [0], [0], [1], [0, 0, 1, 1], [], []>, transpose_lhs_hint = false} : vector<1536x512xbf16>, vector<512x128xbf16>, vector<1536x128xf32> -> vector<1536x128xf32>
    %add3A_145 = arith.addf %add3A_129, %dot_general3A_144 : vector<1536x128xf32>
    %add3A_146 = arith.constant 28 : i32
    %add3A_147 = vector.broadcast %add3A_146 : i32 to vector<1536x512xi32>
    %add3A_148 = arith.addi %select_n3A, %add3A_147 : vector<1536x512xi32>
    %eq3A_149 = vector.broadcast %concatenate3A_11 : vector<1536x1xi32> to vector<1536x512xi32>
    %eq3A_150 = arith.cmpi eq, %eq3A_149, %add3A_148 : vector<1536x512xi32>
    %jit3A_151 = arith.constant 0.000000e+00 : bf16
    %broadcast_in_dim3A_152 = vector.broadcast %jit3A_151 : bf16 to vector<1536x512xbf16>
    %select_n3A_153 = arith.select %eq3A_150, %concatenate3A_12, %broadcast_in_dim3A_152 : vector<1536x512xi1>, vector<1536x512xbf16>
    %get3A_154 = arith.constant 7 : index
    %get3A_155 = arith.constant 0 : index
    %get3A_156 = arith.constant 0 : index
    %get3A_157 = vector.load %arg6[%get3A_154, %get3A_155, %get3A_156] : memref<16x512x128xbf16, #tpu.memory_space<vmem>>, vector<1x512x128xbf16>
    %get3A_158 = vector.shape_cast %get3A_157 : vector<1x512x128xbf16> to vector<512x128xbf16>
    %dot_general3A_159 = arith.constant dense<0.000000e+00> : vector<1536x128xf32>
    %dot_general3A_160 = tpu.matmul %select_n3A_153, %get3A_158, %dot_general3A_159 {dimension_numbers = #tpu.dot_dimension_numbers<[1], [0], [0], [1], [0, 0, 1, 1], [], []>, transpose_lhs_hint = false} : vector<1536x512xbf16>, vector<512x128xbf16>, vector<1536x128xf32> -> vector<1536x128xf32>
    %add3A_161 = arith.addf %add3A_145, %dot_general3A_160 : vector<1536x128xf32>
    %add3A_162 = arith.constant 32 : i32
    %add3A_163 = vector.broadcast %add3A_162 : i32 to vector<1536x512xi32>
    %add3A_164 = arith.addi %select_n3A, %add3A_163 : vector<1536x512xi32>
    %eq3A_165 = vector.broadcast %concatenate3A_11 : vector<1536x1xi32> to vector<1536x512xi32>
    %eq3A_166 = arith.cmpi eq, %eq3A_165, %add3A_164 : vector<1536x512xi32>
    %jit3A_167 = arith.constant 0.000000e+00 : bf16
    %broadcast_in_dim3A_168 = vector.broadcast %jit3A_167 : bf16 to vector<1536x512xbf16>
    %select_n3A_169 = arith.select %eq3A_166, %concatenate3A_12, %broadcast_in_dim3A_168 : vector<1536x512xi1>, vector<1536x512xbf16>
    %get3A_170 = arith.constant 8 : index
    %get3A_171 = arith.constant 0 : index
    %get3A_172 = arith.constant 0 : index
    %get3A_173 = vector.load %arg6[%get3A_170, %get3A_171, %get3A_172] : memref<16x512x128xbf16, #tpu.memory_space<vmem>>, vector<1x512x128xbf16>
    %get3A_174 = vector.shape_cast %get3A_173 : vector<1x512x128xbf16> to vector<512x128xbf16>
    %dot_general3A_175 = arith.constant dense<0.000000e+00> : vector<1536x128xf32>
    %dot_general3A_176 = tpu.matmul %select_n3A_169, %get3A_174, %dot_general3A_175 {dimension_numbers = #tpu.dot_dimension_numbers<[1], [0], [0], [1], [0, 0, 1, 1], [], []>, transpose_lhs_hint = false} : vector<1536x512xbf16>, vector<512x128xbf16>, vector<1536x128xf32> -> vector<1536x128xf32>
    %add3A_177 = arith.addf %add3A_161, %dot_general3A_176 : vector<1536x128xf32>
    %add3A_178 = arith.constant 36 : i32
    %add3A_179 = vector.broadcast %add3A_178 : i32 to vector<1536x512xi32>
    %add3A_180 = arith.addi %select_n3A, %add3A_179 : vector<1536x512xi32>
    %eq3A_181 = vector.broadcast %concatenate3A_11 : vector<1536x1xi32> to vector<1536x512xi32>
    %eq3A_182 = arith.cmpi eq, %eq3A_181, %add3A_180 : vector<1536x512xi32>
    %jit3A_183 = arith.constant 0.000000e+00 : bf16
    %broadcast_in_dim3A_184 = vector.broadcast %jit3A_183 : bf16 to vector<1536x512xbf16>
    %select_n3A_185 = arith.select %eq3A_182, %concatenate3A_12, %broadcast_in_dim3A_184 : vector<1536x512xi1>, vector<1536x512xbf16>
    %get3A_186 = arith.constant 9 : index
    %get3A_187 = arith.constant 0 : index
    %get3A_188 = arith.constant 0 : index
    %get3A_189 = vector.load %arg6[%get3A_186, %get3A_187, %get3A_188] : memref<16x512x128xbf16, #tpu.memory_space<vmem>>, vector<1x512x128xbf16>
    %get3A_190 = vector.shape_cast %get3A_189 : vector<1x512x128xbf16> to vector<512x128xbf16>
    %dot_general3A_191 = arith.constant dense<0.000000e+00> : vector<1536x128xf32>
    %dot_general3A_192 = tpu.matmul %select_n3A_185, %get3A_190, %dot_general3A_191 {dimension_numbers = #tpu.dot_dimension_numbers<[1], [0], [0], [1], [0, 0, 1, 1], [], []>, transpose_lhs_hint = false} : vector<1536x512xbf16>, vector<512x128xbf16>, vector<1536x128xf32> -> vector<1536x128xf32>
    %add3A_193 = arith.addf %add3A_177, %dot_general3A_192 : vector<1536x128xf32>
    %add3A_194 = arith.constant 40 : i32
    %add3A_195 = vector.broadcast %add3A_194 : i32 to vector<1536x512xi32>
    %add3A_196 = arith.addi %select_n3A, %add3A_195 : vector<1536x512xi32>
    %eq3A_197 = vector.broadcast %concatenate3A_11 : vector<1536x1xi32> to vector<1536x512xi32>
    %eq3A_198 = arith.cmpi eq, %eq3A_197, %add3A_196 : vector<1536x512xi32>
    %jit3A_199 = arith.constant 0.000000e+00 : bf16
    %broadcast_in_dim3A_200 = vector.broadcast %jit3A_199 : bf16 to vector<1536x512xbf16>
    %select_n3A_201 = arith.select %eq3A_198, %concatenate3A_12, %broadcast_in_dim3A_200 : vector<1536x512xi1>, vector<1536x512xbf16>
    %get3A_202 = arith.constant 10 : index
    %get3A_203 = arith.constant 0 : index
    %get3A_204 = arith.constant 0 : index
    %get3A_205 = vector.load %arg6[%get3A_202, %get3A_203, %get3A_204] : memref<16x512x128xbf16, #tpu.memory_space<vmem>>, vector<1x512x128xbf16>
    %get3A_206 = vector.shape_cast %get3A_205 : vector<1x512x128xbf16> to vector<512x128xbf16>
    %dot_general3A_207 = arith.constant dense<0.000000e+00> : vector<1536x128xf32>
    %dot_general3A_208 = tpu.matmul %select_n3A_201, %get3A_206, %dot_general3A_207 {dimension_numbers = #tpu.dot_dimension_numbers<[1], [0], [0], [1], [0, 0, 1, 1], [], []>, transpose_lhs_hint = false} : vector<1536x512xbf16>, vector<512x128xbf16>, vector<1536x128xf32> -> vector<1536x128xf32>
    %add3A_209 = arith.addf %add3A_193, %dot_general3A_208 : vector<1536x128xf32>
    %add3A_210 = arith.constant 44 : i32
    %add3A_211 = vector.broadcast %add3A_210 : i32 to vector<1536x512xi32>
    %add3A_212 = arith.addi %select_n3A, %add3A_211 : vector<1536x512xi32>
    %eq3A_213 = vector.broadcast %concatenate3A_11 : vector<1536x1xi32> to vector<1536x512xi32>
    %eq3A_214 = arith.cmpi eq, %eq3A_213, %add3A_212 : vector<1536x512xi32>
    %jit3A_215 = arith.constant 0.000000e+00 : bf16
    %broadcast_in_dim3A_216 = vector.broadcast %jit3A_215 : bf16 to vector<1536x512xbf16>
    %select_n3A_217 = arith.select %eq3A_214, %concatenate3A_12, %broadcast_in_dim3A_216 : vector<1536x512xi1>, vector<1536x512xbf16>
    %get3A_218 = arith.constant 11 : index
    %get3A_219 = arith.constant 0 : index
    %get3A_220 = arith.constant 0 : index
    %get3A_221 = vector.load %arg6[%get3A_218, %get3A_219, %get3A_220] : memref<16x512x128xbf16, #tpu.memory_space<vmem>>, vector<1x512x128xbf16>
    %get3A_222 = vector.shape_cast %get3A_221 : vector<1x512x128xbf16> to vector<512x128xbf16>
    %dot_general3A_223 = arith.constant dense<0.000000e+00> : vector<1536x128xf32>
    %dot_general3A_224 = tpu.matmul %select_n3A_217, %get3A_222, %dot_general3A_223 {dimension_numbers = #tpu.dot_dimension_numbers<[1], [0], [0], [1], [0, 0, 1, 1], [], []>, transpose_lhs_hint = false} : vector<1536x512xbf16>, vector<512x128xbf16>, vector<1536x128xf32> -> vector<1536x128xf32>
    %add3A_225 = arith.addf %add3A_209, %dot_general3A_224 : vector<1536x128xf32>
    %add3A_226 = arith.constant 48 : i32
    %add3A_227 = vector.broadcast %add3A_226 : i32 to vector<1536x512xi32>
    %add3A_228 = arith.addi %select_n3A, %add3A_227 : vector<1536x512xi32>
    %eq3A_229 = vector.broadcast %concatenate3A_11 : vector<1536x1xi32> to vector<1536x512xi32>
    %eq3A_230 = arith.cmpi eq, %eq3A_229, %add3A_228 : vector<1536x512xi32>
    %jit3A_231 = arith.constant 0.000000e+00 : bf16
    %broadcast_in_dim3A_232 = vector.broadcast %jit3A_231 : bf16 to vector<1536x512xbf16>
    %select_n3A_233 = arith.select %eq3A_230, %concatenate3A_12, %broadcast_in_dim3A_232 : vector<1536x512xi1>, vector<1536x512xbf16>
    %get3A_234 = arith.constant 12 : index
    %get3A_235 = arith.constant 0 : index
    %get3A_236 = arith.constant 0 : index
    %get3A_237 = vector.load %arg6[%get3A_234, %get3A_235, %get3A_236] : memref<16x512x128xbf16, #tpu.memory_space<vmem>>, vector<1x512x128xbf16>
    %get3A_238 = vector.shape_cast %get3A_237 : vector<1x512x128xbf16> to vector<512x128xbf16>
    %dot_general3A_239 = arith.constant dense<0.000000e+00> : vector<1536x128xf32>
    %dot_general3A_240 = tpu.matmul %select_n3A_233, %get3A_238, %dot_general3A_239 {dimension_numbers = #tpu.dot_dimension_numbers<[1], [0], [0], [1], [0, 0, 1, 1], [], []>, transpose_lhs_hint = false} : vector<1536x512xbf16>, vector<512x128xbf16>, vector<1536x128xf32> -> vector<1536x128xf32>
    %add3A_241 = arith.addf %add3A_225, %dot_general3A_240 : vector<1536x128xf32>
    %add3A_242 = arith.constant 52 : i32
    %add3A_243 = vector.broadcast %add3A_242 : i32 to vector<1536x512xi32>
    %add3A_244 = arith.addi %select_n3A, %add3A_243 : vector<1536x512xi32>
    %eq3A_245 = vector.broadcast %concatenate3A_11 : vector<1536x1xi32> to vector<1536x512xi32>
    %eq3A_246 = arith.cmpi eq, %eq3A_245, %add3A_244 : vector<1536x512xi32>
    %jit3A_247 = arith.constant 0.000000e+00 : bf16
    %broadcast_in_dim3A_248 = vector.broadcast %jit3A_247 : bf16 to vector<1536x512xbf16>
    %select_n3A_249 = arith.select %eq3A_246, %concatenate3A_12, %broadcast_in_dim3A_248 : vector<1536x512xi1>, vector<1536x512xbf16>
    %get3A_250 = arith.constant 13 : index
    %get3A_251 = arith.constant 0 : index
    %get3A_252 = arith.constant 0 : index
    %get3A_253 = vector.load %arg6[%get3A_250, %get3A_251, %get3A_252] : memref<16x512x128xbf16, #tpu.memory_space<vmem>>, vector<1x512x128xbf16>
    %get3A_254 = vector.shape_cast %get3A_253 : vector<1x512x128xbf16> to vector<512x128xbf16>
    %dot_general3A_255 = arith.constant dense<0.000000e+00> : vector<1536x128xf32>
    %dot_general3A_256 = tpu.matmul %select_n3A_249, %get3A_254, %dot_general3A_255 {dimension_numbers = #tpu.dot_dimension_numbers<[1], [0], [0], [1], [0, 0, 1, 1], [], []>, transpose_lhs_hint = false} : vector<1536x512xbf16>, vector<512x128xbf16>, vector<1536x128xf32> -> vector<1536x128xf32>
    %add3A_257 = arith.addf %add3A_241, %dot_general3A_256 : vector<1536x128xf32>
    %add3A_258 = arith.constant 56 : i32
    %add3A_259 = vector.broadcast %add3A_258 : i32 to vector<1536x512xi32>
    %add3A_260 = arith.addi %select_n3A, %add3A_259 : vector<1536x512xi32>
    %eq3A_261 = vector.broadcast %concatenate3A_11 : vector<1536x1xi32> to vector<1536x512xi32>
    %eq3A_262 = arith.cmpi eq, %eq3A_261, %add3A_260 : vector<1536x512xi32>
    %jit3A_263 = arith.constant 0.000000e+00 : bf16
    %broadcast_in_dim3A_264 = vector.broadcast %jit3A_263 : bf16 to vector<1536x512xbf16>
    %select_n3A_265 = arith.select %eq3A_262, %concatenate3A_12, %broadcast_in_dim3A_264 : vector<1536x512xi1>, vector<1536x512xbf16>
    %get3A_266 = arith.constant 14 : index
    %get3A_267 = arith.constant 0 : index
    %get3A_268 = arith.constant 0 : index
    %get3A_269 = vector.load %arg6[%get3A_266, %get3A_267, %get3A_268] : memref<16x512x128xbf16, #tpu.memory_space<vmem>>, vector<1x512x128xbf16>
    %get3A_270 = vector.shape_cast %get3A_269 : vector<1x512x128xbf16> to vector<512x128xbf16>
    %dot_general3A_271 = arith.constant dense<0.000000e+00> : vector<1536x128xf32>
    %dot_general3A_272 = tpu.matmul %select_n3A_265, %get3A_270, %dot_general3A_271 {dimension_numbers = #tpu.dot_dimension_numbers<[1], [0], [0], [1], [0, 0, 1, 1], [], []>, transpose_lhs_hint = false} : vector<1536x512xbf16>, vector<512x128xbf16>, vector<1536x128xf32> -> vector<1536x128xf32>
    %add3A_273 = arith.addf %add3A_257, %dot_general3A_272 : vector<1536x128xf32>
    %add3A_274 = arith.constant 60 : i32
    %add3A_275 = vector.broadcast %add3A_274 : i32 to vector<1536x512xi32>
    %add3A_276 = arith.addi %select_n3A, %add3A_275 : vector<1536x512xi32>
    %eq3A_277 = vector.broadcast %concatenate3A_11 : vector<1536x1xi32> to vector<1536x512xi32>
    %eq3A_278 = arith.cmpi eq, %eq3A_277, %add3A_276 : vector<1536x512xi32>
    %jit3A_279 = arith.constant 0.000000e+00 : bf16
    %broadcast_in_dim3A_280 = vector.broadcast %jit3A_279 : bf16 to vector<1536x512xbf16>
    %select_n3A_281 = arith.select %eq3A_278, %concatenate3A_12, %broadcast_in_dim3A_280 : vector<1536x512xi1>, vector<1536x512xbf16>
    %get3A_282 = arith.constant 15 : index
    %get3A_283 = arith.constant 0 : index
    %get3A_284 = arith.constant 0 : index
    %get3A_285 = vector.load %arg6[%get3A_282, %get3A_283, %get3A_284] : memref<16x512x128xbf16, #tpu.memory_space<vmem>>, vector<1x512x128xbf16>
    %get3A_286 = vector.shape_cast %get3A_285 : vector<1x512x128xbf16> to vector<512x128xbf16>
    %dot_general3A_287 = arith.constant dense<0.000000e+00> : vector<1536x128xf32>
    %dot_general3A_288 = tpu.matmul %select_n3A_281, %get3A_286, %dot_general3A_287 {dimension_numbers = #tpu.dot_dimension_numbers<[1], [0], [0], [1], [0, 0, 1, 1], [], []>, transpose_lhs_hint = false} : vector<1536x512xbf16>, vector<512x128xbf16>, vector<1536x128xf32> -> vector<1536x128xf32>
    %add3A_289 = arith.addf %add3A_273, %dot_general3A_288 : vector<1536x128xf32>
    %iota3A_290 = tpu.iota {dimensions = array<i32: 1>} : vector<512x64xi32>
    %eq3A_291 = vector.broadcast %get3A_1 : vector<512x1xi32> to vector<512x64xi32>
    %eq3A_292 = arith.cmpi eq, %eq3A_291, %iota3A_290 : vector<512x64xi32>
    %convert_element_type3A_293 = arith.extui %eq3A_292 : vector<512x64xi1> to vector<512x64xi32>
    %convert_element_type3A_294 = arith.sitofp %convert_element_type3A_293 : vector<512x64xi32> to vector<512x64xf32>
    %get3A_295 = arith.constant 0 : index
    %get3A_296 = arith.constant 0 : index
    %get3A_297 = vector.load %arg5[%get3A_295, %get3A_296] : memref<64x128xf32, #tpu.memory_space<vmem>>, vector<64x128xf32>
    %dot_general3A_298 = arith.constant dense<0.000000e+00> : vector<512x128xf32>
    %dot_general3A_299 = tpu.matmul %convert_element_type3A_294, %get3A_297, %dot_general3A_298 {dimension_numbers = #tpu.dot_dimension_numbers<[1], [0], [0], [1], [0, 0, 1, 1], [], []>, transpose_lhs_hint = false} : vector<512x64xf32>, vector<64x128xf32>, vector<512x128xf32> -> vector<512x128xf32>
    %slice3A = vector.extract_strided_slice %add3A_289 {offsets = [0, 0], sizes = [512, 128], strides = [1, 1]} : vector<1536x128xf32> to vector<512x128xf32>
    %mul3A = arith.mulf %slice3A, %slice3A : vector<512x128xf32>
    %reduce_sum3A = arith.constant dense<0.000000e+00> : vector<512xf32>
    %reduce_sum3A_300 = vector.multi_reduction <add>, %mul3A, %reduce_sum3A [1] : vector<512x128xf32> to vector<512xf32>
    %broadcast_in_dim3A_301 = vector.shape_cast %reduce_sum3A_300 : vector<512xf32> to vector<512x1xf32>
    %sqrt3A = math.sqrt %broadcast_in_dim3A_301 : vector<512x1xf32>
    %max3A = arith.constant 9.99999996E-13 : f32
    %max3A_302 = vector.broadcast %max3A : f32 to vector<512x1xf32>
    %max3A_303 = arith.maximumf %sqrt3A, %max3A_302 : vector<512x1xf32>
    %div3A_304 = vector.broadcast %max3A_303 : vector<512x1xf32> to vector<512x128xf32>
    %div3A_305 = arith.divf %slice3A, %div3A_304 : vector<512x128xf32>
    %slice3A_306 = vector.extract_strided_slice %add3A_289 {offsets = [512, 0], sizes = [512, 128], strides = [1, 1]} : vector<1536x128xf32> to vector<512x128xf32>
    %mul3A_307 = arith.mulf %slice3A_306, %slice3A_306 : vector<512x128xf32>
    %reduce_sum3A_308 = arith.constant dense<0.000000e+00> : vector<512xf32>
    %reduce_sum3A_309 = vector.multi_reduction <add>, %mul3A_307, %reduce_sum3A_308 [1] : vector<512x128xf32> to vector<512xf32>
    %broadcast_in_dim3A_310 = vector.shape_cast %reduce_sum3A_309 : vector<512xf32> to vector<512x1xf32>
    %sqrt3A_311 = math.sqrt %broadcast_in_dim3A_310 : vector<512x1xf32>
    %max3A_312 = arith.constant 9.99999996E-13 : f32
    %max3A_313 = vector.broadcast %max3A_312 : f32 to vector<512x1xf32>
    %max3A_314 = arith.maximumf %sqrt3A_311, %max3A_313 : vector<512x1xf32>
    %div3A_315 = vector.broadcast %max3A_314 : vector<512x1xf32> to vector<512x128xf32>
    %div3A_316 = arith.divf %slice3A_306, %div3A_315 : vector<512x128xf32>
    %slice3A_317 = vector.extract_strided_slice %add3A_289 {offsets = [1024, 0], sizes = [512, 128], strides = [1, 1]} : vector<1536x128xf32> to vector<512x128xf32>
    %mul3A_318 = arith.mulf %slice3A_317, %slice3A_317 : vector<512x128xf32>
    %reduce_sum3A_319 = arith.constant dense<0.000000e+00> : vector<512xf32>
    %reduce_sum3A_320 = vector.multi_reduction <add>, %mul3A_318, %reduce_sum3A_319 [1] : vector<512x128xf32> to vector<512xf32>
    %broadcast_in_dim3A_321 = vector.shape_cast %reduce_sum3A_320 : vector<512xf32> to vector<512x1xf32>
    %sqrt3A_322 = math.sqrt %broadcast_in_dim3A_321 : vector<512x1xf32>
    %max3A_323 = arith.constant 9.99999996E-13 : f32
    %max3A_324 = vector.broadcast %max3A_323 : f32 to vector<512x1xf32>
    %max3A_325 = arith.maximumf %sqrt3A_322, %max3A_324 : vector<512x1xf32>
    %div3A_326 = vector.broadcast %max3A_325 : vector<512x1xf32> to vector<512x128xf32>
    %div3A_327 = arith.divf %slice3A_317, %div3A_326 : vector<512x128xf32>
    %mul3A_328 = arith.mulf %dot_general3A_299, %dot_general3A_299 : vector<512x128xf32>
    %reduce_sum3A_329 = arith.constant dense<0.000000e+00> : vector<512xf32>
    %reduce_sum3A_330 = vector.multi_reduction <add>, %mul3A_328, %reduce_sum3A_329 [1] : vector<512x128xf32> to vector<512xf32>
    %broadcast_in_dim3A_331 = vector.shape_cast %reduce_sum3A_330 : vector<512xf32> to vector<512x1xf32>
    %sqrt3A_332 = math.sqrt %broadcast_in_dim3A_331 : vector<512x1xf32>
    %max3A_333 = arith.constant 9.99999996E-13 : f32
    %max3A_334 = vector.broadcast %max3A_333 : f32 to vector<512x1xf32>
    %max3A_335 = arith.maximumf %sqrt3A_332, %max3A_334 : vector<512x1xf32>
    %div3A_336 = vector.broadcast %max3A_335 : vector<512x1xf32> to vector<512x128xf32>
    %div3A_337 = arith.divf %dot_general3A_299, %div3A_336 : vector<512x128xf32>
    %add3A_338 = arith.addf %div3A_305, %div3A_337 : vector<512x128xf32>
    %sub3A_339 = arith.subf %add3A_338, %div3A_316 : vector<512x128xf32>
    %integer_pow3A = arith.mulf %sub3A_339, %sub3A_339 : vector<512x128xf32>
    %reduce_sum3A_340 = arith.constant dense<0.000000e+00> : vector<512xf32>
    %reduce_sum3A_341 = vector.multi_reduction <add>, %integer_pow3A, %reduce_sum3A_340 [1] : vector<512x128xf32> to vector<512xf32>
    %sqrt3A_342 = math.sqrt %reduce_sum3A_341 : vector<512xf32>
    %sub3A_343 = arith.subf %add3A_338, %div3A_327 : vector<512x128xf32>
    %integer_pow3A_344 = arith.mulf %sub3A_343, %sub3A_343 : vector<512x128xf32>
    %reduce_sum3A_345 = arith.constant dense<0.000000e+00> : vector<512xf32>
    %reduce_sum3A_346 = vector.multi_reduction <add>, %integer_pow3A_344, %reduce_sum3A_345 [1] : vector<512x128xf32> to vector<512xf32>
    %sqrt3A_347 = math.sqrt %reduce_sum3A_346 : vector<512xf32>
    %sub3A_348 = arith.subf %sqrt3A_342, %sqrt3A_347 : vector<512xf32>
    %exp3A = math.exp %sub3A_348 : vector<512xf32>
    %add3A_349 = arith.constant 1.000000e+00 : f32
    %add3A_350 = vector.broadcast %add3A_349 : f32 to vector<512xf32>
    %add3A_351 = arith.addf %add3A_350, %exp3A : vector<512xf32>
    %div3A_352 = arith.constant 1.000000e+00 : f32
    %div3A_353 = vector.broadcast %div3A_352 : f32 to vector<512xf32>
    %div3A_354 = arith.divf %div3A_353, %add3A_351 : vector<512xf32>
    %add3A_355 = arith.constant 9.99999993E-9 : f32
    %add3A_356 = vector.broadcast %add3A_355 : f32 to vector<512xf32>
    %add3A_357 = arith.addf %div3A_354, %add3A_356 : vector<512xf32>
    %log3A = math.log %add3A_357 : vector<512xf32>
    %neg3A = arith.constant 0.000000e+00 : f32
    %neg3A_358 = vector.broadcast %neg3A : f32 to vector<512xf32>
    %neg3A_359 = arith.subf %neg3A_358, %log3A : vector<512xf32>
    %mul3A_360 = arith.mulf %div3A_305, %div3A_305 : vector<512x128xf32>
    %reduce_sum3A_361 = vector.shape_cast %mul3A_360 : vector<512x128xf32> to vector<1x512x128xf32>
    %reduce_sum3A_362 = arith.constant dense<0.000000e+00> : vector<1xf32>
    %reduce_sum3A_363 = vector.multi_reduction <add>, %reduce_sum3A_361, %reduce_sum3A_362 [1, 2] : vector<1x512x128xf32> to vector<1xf32>
    %reduce_sum3A_364 = vector.shape_cast %reduce_sum3A_363 : vector<1xf32> to vector<1x1x1xf32>
    %reduce_sum3A_365 = vector.extract %reduce_sum3A_364[0, 0, 0] : f32 from vector<1x1x1xf32>
    %mul3A_366 = arith.mulf %div3A_337, %div3A_337 : vector<512x128xf32>
    %reduce_sum3A_367 = vector.shape_cast %mul3A_366 : vector<512x128xf32> to vector<1x512x128xf32>
    %reduce_sum3A_368 = arith.constant dense<0.000000e+00> : vector<1xf32>
    %reduce_sum3A_369 = vector.multi_reduction <add>, %reduce_sum3A_367, %reduce_sum3A_368 [1, 2] : vector<1x512x128xf32> to vector<1xf32>
    %reduce_sum3A_370 = vector.shape_cast %reduce_sum3A_369 : vector<1xf32> to vector<1x1x1xf32>
    %reduce_sum3A_371 = vector.extract %reduce_sum3A_370[0, 0, 0] : f32 from vector<1x1x1xf32>
    %add3A_372 = arith.addf %reduce_sum3A_365, %reduce_sum3A_371 : f32
    %mul3A_373 = arith.mulf %div3A_316, %div3A_316 : vector<512x128xf32>
    %reduce_sum3A_374 = vector.shape_cast %mul3A_373 : vector<512x128xf32> to vector<1x512x128xf32>
    %reduce_sum3A_375 = arith.constant dense<0.000000e+00> : vector<1xf32>
    %reduce_sum3A_376 = vector.multi_reduction <add>, %reduce_sum3A_374, %reduce_sum3A_375 [1, 2] : vector<1x512x128xf32> to vector<1xf32>
    %reduce_sum3A_377 = vector.shape_cast %reduce_sum3A_376 : vector<1xf32> to vector<1x1x1xf32>
    %reduce_sum3A_378 = vector.extract %reduce_sum3A_377[0, 0, 0] : f32 from vector<1x1x1xf32>
    %add3A_379 = arith.addf %add3A_372, %reduce_sum3A_378 : f32
    %mul3A_380 = arith.mulf %div3A_327, %div3A_327 : vector<512x128xf32>
    %reduce_sum3A_381 = vector.shape_cast %mul3A_380 : vector<512x128xf32> to vector<1x512x128xf32>
    %reduce_sum3A_382 = arith.constant dense<0.000000e+00> : vector<1xf32>
    %reduce_sum3A_383 = vector.multi_reduction <add>, %reduce_sum3A_381, %reduce_sum3A_382 [1, 2] : vector<1x512x128xf32> to vector<1xf32>
    %reduce_sum3A_384 = vector.shape_cast %reduce_sum3A_383 : vector<1xf32> to vector<1x1x1xf32>
    %reduce_sum3A_385 = vector.extract %reduce_sum3A_384[0, 0, 0] : f32 from vector<1x1x1xf32>
    %add3A_386 = arith.addf %add3A_379, %reduce_sum3A_385 : f32
    %mul3A_387 = arith.constant 5.000000e-01 : f32
    %mul3A_388 = arith.mulf %mul3A_387, %add3A_386 : f32
    %reduce_sum3A_389 = vector.shape_cast %neg3A_359 : vector<512xf32> to vector<1x512xf32>
    %reduce_sum3A_390 = arith.constant dense<0.000000e+00> : vector<1xf32>
    %reduce_sum3A_391 = vector.multi_reduction <add>, %reduce_sum3A_389, %reduce_sum3A_390 [1] : vector<1x512xf32> to vector<1xf32>
    %reduce_sum3A_392 = vector.shape_cast %reduce_sum3A_391 : vector<1xf32> to vector<1x1xf32>
    %reduce_sum3A_393 = vector.extract %reduce_sum3A_392[0, 0] : f32 from vector<1x1xf32>
    %div3A_394 = arith.constant 1.638400e+04 : f32
    %div3A_395 = arith.divf %reduce_sum3A_393, %div3A_394 : f32
    %mul3A_396 = arith.constant 9.99999974E-6 : f32
    %mul3A_397 = arith.mulf %mul3A_396, %mul3A_388 : f32
    %div3A_398 = arith.constant 1.638400e+04 : f32
    %div3A_399 = arith.divf %mul3A_397, %div3A_398 : f32
    %add3A_400 = arith.addf %div3A_395, %div3A_399 : f32
    %eq3A_401 = arith.constant 0 : i32
    %eq3A_402 = arith.cmpi eq, %arg0, %eq3A_401 : i32
    %convert_element_type3A_403 = arith.extui %eq3A_402 : i1 to i32
    %cond3A = arith.constant 0 : i32
    %cond3A_404 = arith.cmpi ne, %convert_element_type3A_403, %cond3A : i32
    scf.if %cond3A_404 {
      %swap3A_411 = arith.constant 0.000000e+00 : f32
      %swap3A_412 = arith.constant 0 : index
      %swap3A_413 = arith.constant 0 : index
      %swap3A_414 = memref.load %arg7[%swap3A_412, %swap3A_413] : memref<1x1xf32, #tpu.memory_space<smem>>
      memref.store %swap3A_411, %arg7[%swap3A_412, %swap3A_413] : memref<1x1xf32, #tpu.memory_space<smem>>
    } else {
    }
    %get3A_405 = arith.constant 0 : index
    %get3A_406 = arith.constant 0 : index
    %get3A_407 = memref.load %arg7[%get3A_405, %get3A_406] : memref<1x1xf32, #tpu.memory_space<smem>>
    %add3A_408 = arith.addf %get3A_407, %add3A_400 : f32
    %swap3A = arith.constant 0 : index
    %swap3A_409 = arith.constant 0 : index
    %swap3A_410 = memref.load %arg7[%swap3A, %swap3A_409] : memref<1x1xf32, #tpu.memory_space<smem>>
    memref.store %add3A_408, %arg7[%swap3A, %swap3A_409] : memref<1x1xf32, #tpu.memory_space<smem>>
    return
  }
  func.func @transform_0(%arg0: i32) -> (i32, i32) {
    %c0_i32 = arith.constant 0 : i32
    %c0_i32_0 = arith.constant 0 : i32
    return %arg0, %c0_i32 : i32, i32
  }
  func.func @transform_1(%arg0: i32) -> (i32, i32) {
    %c0_i32 = arith.constant 0 : i32
    %c0_i32_0 = arith.constant 0 : i32
    return %arg0, %c0_i32 : i32, i32
  }
  func.func @transform_2(%arg0: i32) -> (i32, i32) {
    %c0_i32 = arith.constant 0 : i32
    %c0_i32_0 = arith.constant 0 : i32
    return %arg0, %c0_i32 : i32, i32
  }
  func.func @transform_3(%arg0: i32) -> (i32, i32) {
    %c0_i32 = arith.constant 0 : i32
    %c0_i32_0 = arith.constant 0 : i32
    return %arg0, %c0_i32 : i32, i32
  }
  func.func @transform_4(%arg0: i32) -> (i32, i32) {
    %c0_i32 = arith.constant 0 : i32
    %c0_i32_0 = arith.constant 0 : i32
    %c0_i32_1 = arith.constant 0 : i32
    return %c0_i32, %c0_i32_0 : i32, i32
  }
  func.func @transform_5(%arg0: i32) -> (i32, i32, i32) {
    %c0_i32 = arith.constant 0 : i32
    %c0_i32_0 = arith.constant 0 : i32
    %c0_i32_1 = arith.constant 0 : i32
    %c0_i32_2 = arith.constant 0 : i32
    return %c0_i32, %c0_i32_0, %c0_i32_1 : i32, i32, i32
  }
  func.func @transform_6(%arg0: i32) -> (i32, i32) {
    %c0_i32 = arith.constant 0 : i32
    %c0_i32_0 = arith.constant 0 : i32
    %c0_i32_1 = arith.constant 0 : i32
    return %c0_i32, %c0_i32_0 : i32, i32
  }
}

</mosaic_0001>

<sc_bundles>
// kernel: kernel.4.cloned.1.call-start
scs
__scs_entry_jumppad:
0x0: {  	(pc) =	sbr.rel $0x88, $3  }
0x1: {  	(tag) =	ssettag $0x0;
	lr =	simm.s32 $0x1  }
0x2: {  	[smem:$0x3F9A] =	sst lr;
	_ =	strace $0xD0000000  }
0x3: {  	_ = 	snop  }
0x4: {  	_ = 	snop  }
0x5: {  	_ = 	snop  }
0x6: {  	_ = 	snop  }
0x7: {  	_ = 	snop  }
__scs_overlays_trampoline_lowered:
0x8: {  	[smem:$0x3FA9] =	sst s0  }
0x9: {  	[smem:$0x3FAA] =	sst s1  }
0xa: {  	[smem:$0x3FAB] =	sst s2  }
0xb: {  	[smem:$0x3FAC] =	sst s3  }
0xc: {  	[smem:$0x3FAD] =	sst s4  }
0xd: {  	[smem:$0x3FAE] =	sst s5  }
0xe: {  	[smem:$0x3FAF] =	sst s6  }
0xf: {  	[smem:$0x3FB0] =	sst s7  }
0x10: {  	[smem:$0x3FB1] =	sst s8  }
0x11: {  	[smem:$0x3FB2] =	sst s9;
	s0 =	simm.s32 @!p0 $0x0  }
0x12: {  	s1 =	sld [smem:$0x3F98];
	s0 =	simm.s32 @p0 $0x1  }
0x13: {  	[smem:$0x3FB3] =	sst s0;
	s0 =	simm.s32 @!p1 $0x0  }
0x14: {  	s2 =	sld [smem:$0x3F97];
	s0 =	simm.s32 @p1 $0x1  }
0x15: {  	[smem:$0x3FB4] =	sst s0;
	s0 =	simm.s32 @!p2 $0x0  }
0x16: {  	s3 =	sld [smem:$0x3FDB];
	s0 =	simm.s32 @p2 $0x1  }
0x17: {  	s4 =	simm.s32 $0x1BF5;
	[smem:$0x3FB6] =	sst s0  }
0x18: {  	s0 =	sld [smem:$0x3F99];
	_ =	swait.ge [sflag:s4], $0x0  }
0x19: {  	s7 =	sld [smem:$0x3F9A]  }
0x1a: {  	s8 =	sadd.s32 $0xFFFFE003, lr  }
0x1b: {  	s9 =	sadd.s32 $0xFFFFFEF7, lr;
	s5 =	simm.s32 $0xFFFFFFFF;
	p2 =	slt.u32 s8, $0xFFFFF086  }
0x1c: {  	p1 =	slt.u32 s9, $0xF7A;
	s5 =	simm.s32 @!p2 $0x0  }
0x1d: {  	s5 =	simm.s32 @p1 $0x1;
	p0 =	seq.s32 s7, s2  }
0x1e: {  	s7 =	smul.u32 @!p0 $0xF7A, s2;
	p2 =	seq.s32 @!p0 s5, $0x0  }
0x1f: {  	s9 =	smul.u32 $0xF7A, s1;
	s8 =	simm.s32 @!p0 $0x1BF5;
	p2 =	por !p2, p0  }
0x20: {  	[sflag:s8] =	ssyncset.s32 @!p0 $0xFFFFF086;
	s6 =	sadd.s32 @!p0 s3, s7;
	s7 =	simm.s32 @!p0 $0x108  }
0x21: {  	s3 =	sadd.s32 s3, s9;
	s6 =	sadd.s32 @!p0 $0x88, s6;
	s7 =	simm.s32 @p2 $0x1082  }
0x22: {  	[simem:s7], [sflag:s8] =	dma.local @!p0 [hbm:s6], $0xF7A  }
0x23: {  	s9 =	sor.u32 $0xD0000000, s2;
	s6 =	simm.s32 $0x108;
	_ =	swait.ge @!p0 [sflag:s8], $0x0  }
0x24: {  	s3 =	sadd.s32 $0x88, s3;
	s6 =	simm.s32 @!p1 $0x1082;
	[sflag:s4] =	ssyncset.s32 $0xFFFFF086  }
0x25: {  	[simem:s6], [sflag:s4] =	dma.local [hbm:s3], $0xF7A  }
0x26: {  	[smem:$0x3F9A] =	sst s1;
	(tag) =	ssettag s2;
	_ =	strace s9  }
0x27: {  	s1 =	sld [smem:$0x3FAA]  }
0x28: {  	s2 =	sld [smem:$0x3FAB]  }
0x29: {  	s4 =	sld [smem:$0x3FAD]  }
0x2a: {  	p0 =	seq.s32 s5, $0x0;
	s5 =	sld [smem:$0x3FAE]  }
0x2b: {  	s6 =	sld [smem:$0x3FAF]  }
0x2c: {  	s7 =	sld [smem:$0x3FB0]  }
0x2d: {  	s3 =	simm.s32 $0x108;
	s8 =	sld [smem:$0x3FB1]  }
0x2e: {  	s3 =	simm.s32 @!p0 $0x1082;
	s9 =	sld [smem:$0x3FB2]  }
0x2f: {  	lr =	sadd.s32 s0, s3;
	s0 =	sld [smem:$0x3FA9]  }
0x30: {  	s3 =	sld [smem:$0x3FAC]  }
0x31: {  	[smem:$0x3FB5] =	sst s10  }
0x32: {  	s10 =	sld [smem:$0x3FB3];
	_ =	sdelay $0x3  }
0x33: {  	p0 =	seq.s32 s10, $0x1;
	s10 =	sld [smem:$0x3FB5];
	_ =	sdelay $0x3  }
0x34: {  	[smem:$0x3FB5] =	sst s10  }
0x35: {  	s10 =	sld [smem:$0x3FB4];
	_ =	sdelay $0x3  }
0x36: {  	p1 =	seq.s32 s10, $0x1;
	s10 =	sld [smem:$0x3FB5];
	_ =	sdelay $0x3  }
0x37: {  	[smem:$0x3FB5] =	sst s10  }
0x38: {  	s10 =	sld [smem:$0x3FB6]  }
0x39: {  	_ = 	snop;
	(pc) =	sbr.ind lr, $3  }
0x3a: {  	_ = 	snop  }
0x3b: {  	_ = 	snop  }
0x3c: {  	p2 =	seq.s32 s10, $0x1;
	s10 =	sld [smem:$0x3FB5]  }
0x3d: {  	_ =	shalt  }
0x3e: {  	_ =	shalt  }
0x3f: {  	_ =	shalt  }
0x40: {  	_ =	shalt  }
0x41: {  	_ =	shalt  }
0x42: {  	_ =	shalt  }
0x43: {  	_ =	shalt  }
0x44: {  	_ =	shalt  }
0x45: {  	_ =	shalt  }
0x46: {  	_ =	shalt  }
0x47: {  	_ =	shalt  }
0x48: {  	_ =	shalt  }
0x49: {  	_ =	shalt  }
0x4a: {  	_ =	shalt  }
0x4b: {  	_ =	shalt  }
0x4c: {  	_ =	shalt  }
0x4d: {  	_ =	shalt  }
0x4e: {  	_ =	shalt  }
0x4f: {  	_ =	shalt  }
0x50: {  	_ =	shalt  }
0x51: {  	_ =	shalt  }
0x52: {  	_ =	shalt  }
0x53: {  	_ =	shalt  }
0x54: {  	_ =	shalt  }
0x55: {  	_ =	shalt  }
0x56: {  	_ =	shalt  }
0x57: {  	_ =	shalt  }
0x58: {  	_ =	shalt  }
0x59: {  	_ =	shalt  }
0x5a: {  	_ =	shalt  }
0x5b: {  	_ =	shalt  }
0x5c: {  	_ =	shalt  }
0x5d: {  	_ =	shalt  }
0x5e: {  	_ =	shalt  }
0x5f: {  	_ =	shalt  }
0x60: {  	_ =	shalt  }
0x61: {  	_ =	shalt  }
0x62: {  	_ =	shalt  }
0x63: {  	_ =	shalt  }
0x64: {  	_ =	shalt  }
0x65: {  	_ =	shalt  }
0x66: {  	_ =	shalt  }
0x67: {  	_ =	shalt  }
0x68: {  	_ =	shalt  }
0x69: {  	_ =	shalt  }
0x6a: {  	_ =	shalt  }
0x6b: {  	_ =	shalt  }
0x6c: {  	_ =	shalt  }
0x6d: {  	_ =	shalt  }
0x6e: {  	_ =	shalt  }
0x6f: {  	_ =	shalt  }
0x70: {  	_ =	shalt  }
0x71: {  	_ =	shalt  }
0x72: {  	_ =	shalt  }
0x73: {  	_ =	shalt  }
0x74: {  	_ =	shalt  }
0x75: {  	_ =	shalt  }
0x76: {  	_ =	shalt  }
0x77: {  	_ =	shalt  }
0x78: {  	_ =	shalt  }
0x79: {  	_ =	shalt  }
0x7a: {  	_ =	shalt  }
0x7b: {  	_ =	shalt  }
0x7c: {  	_ =	shalt  }
0x7d: {  	_ =	shalt  }
0x7e: {  	_ =	shalt  }
0x7f: {  	_ =	shalt  }
0x80: {  	_ =	shalt  }
0x81: {  	_ =	shalt  }
0x82: {  	_ =	shalt  }
0x83: {  	_ =	shalt  }
0x84: {  	_ =	shalt  }
0x85: {  	_ =	shalt  }
0x86: {  	_ =	shalt  }
0x87: {  	_ =	shalt  }
.Lfunc_end0:
.L_simem_size_0:
called_computation_lowered:
.L_overlay_start_0:
0x88: {  	s2 =	sld [smem:$0x3FD9]  }
0x89: {  	s3 =	sld [smem:$0x3FFE];
	_ =	sdelay $0x1  }
0x8a: {  	s1 =	srdreg.scid  }
0x8b: {  	s0 =	sand.u32 $0x1, s1  }
0x8c: {  	s17 =	sshll.u32 s0, $0xA;
	s2 =	sadd.s32 s3, s2  }
0x8d: {  	s2 =	sadd.s32 s2, s17  }
0x8e: {  	[smem:$0x3FC1] =	sst s2  }
0x8f: {  	_ = 	snop  }
0x90: {  	s2 =	sld [smem:$0x3FC9]  }
0x91: {  	s18 =	sld [smem:$0x3FC7]  }
0x92: {  	s4 =	sld [smem:$0x3FC6]  }
0x93: {  	s5 =	sld [smem:$0x3FC5];
	(tm) =	ssettm $0x1  }
0x94: {  	s6 =	sld [smem:$0x3FFB];
	_ =	sdelay $0x3  }
0x95: {  	_ =	strace s6  }
0x96: {  	s6 =	sld [smem:$0x3FFC];
	_ =	sdelay $0x3  }
0x97: {  	_ =	strace s6  }
0x98: {  	s6 =	sld [smem:$0x3FFD];
	_ =	sdelay $0x3  }
0x99: {  	_ =	strace s6  }
0x9a: {  	_ =	strace $0x8FFFFFFF  }
0x9b: {  	s19 =	sld [smem:$0x3FDB];
	_ =	sdelay $0x1  }
0x9c: {  	s7 =	simm.s32 $_scs_section_size  }
0x9d: {  	s8 =	simm.s32 $_size__tile_overlayer_lowered;
	s9 =	simm.s32 $_tile_overlayer_lowered  }
0x9e: {  	s22 =	simm.s32 $0x1BFF;
	s21 =	sshll.u32 s9, $0x1;
	s6 =	sadd.s32 s7, s19  }
0x9f: {  	s10 =	simm.s32 $0x0;
	s20 =	sshll.u32 s8, $0x1;
	s8 =	sadd.s32 s21, s6  }
0xa0: {  	[timem:s10], [sflag:s22] =	dma.local [hbm:s8], s20  }
0xa1: {  	_ =	swait.ge [sflag:s22], s20  }
0xa2: {  	s7 =	ssub.s32 $0x0, s20;
	[sflag:s22] =	ssyncset.done $0x0  }
0xa3: {  	[sflag:s22] =	ssyncadd.s32 s7;
	_ =	sdelay $0x1  }
0xa4: {  	s23 =	simm.s32 $0x1B8B  }
0xa5: {  	_ =	swait.ge [sflag:s23], $0x1  }
0xa6: {  	[sflag:s23] =	ssyncset.done $0x0  }
0xa7: {  	s25 =	simm.s32 $0x1B8E;
	s24 =	sld [smem:$0x3FFE];
	[sflag:s23] =	ssyncadd.s32 $0xFFFFFFFF  }
0xa8: {  	s26 =	simm.s32 $execute0_lowered;
	[smem:$0x3FD2] =	sst s25  }
0xa9: {  	s8 =	sshll.u32 s26, $0x1;
	_ =	strace $0x80000046;
	[dreg:$0x1] =	wrdreg $0xFFFFFFFF  }
0xaa: {  	s28 =	simm.s32 $_size_execute0_lowered;
	s6 =	sadd.s32 s6, s8;
	[dreg:$0x0] =	wrdreg $0x0  }
0xab: {  	s8 =	sshll.u32 s28, $0x1;
	[dreg:$0x2] =	wrdreg s6  }
0xac: {  	[dreg:$0x3] =	wrdreg s8  }
0xad: {  	[dreg:$0x4] =	wrdreg $0xC0  }
0xae: {  	_ =	task [dreg:s10], $0x5FFFF  }
0xaf: {  	[dreg:$0x1] =	wrdreg $0xFFFFFFFF  }
0xb0: {  	[dreg:$0x0] =	wrdreg $0x60  }
0xb1: {  	[dreg:$0x2] =	wrdreg s5  }
0xb2: {  	[dreg:$0x3] =	wrdreg s2  }
0xb3: {  	[dreg:$0x4] =	wrdreg s18  }
0xb4: {  	[dreg:$0x5] =	wrdreg s4  }
0xb5: {  	[dreg:$0x6] =	wrdreg s24  }
0xb6: {  	[dreg:$0x7] =	wrdreg $0x9  }
0xb7: {  	_ =	task.clear_ibuf [dreg:s10], $0x8FFFF;
	_ =	strace $0x90000046  }
0xb8: {  	s29 =	simm.s32 $0x9;
	_ =	strace $0x80000048  }
0xb9: {  	_ =	swait.ge [sflag:s29], $0x1  }
0xba: {  	[sflag:s29] =	ssyncadd.s32 $0xFFFFFFFF  }
0xbb: {  	_ =	strace $0x90000048  }
0xbc: {  	_ =	sfence  }
0xbd: {  	s30 =	sld [smem:$0x0];
	_ =	sdelay $0x2  }
0xbe: {  	s31 =	sshll.u32 s1, $0xD;
	s1 =	sshrl.u32 s1, $0x2  }
0xbf: {  	s3 =	sand.u32 $0x4000, s31;
	s1 =	sadd.s32 s1, s30  }
0xc0: {  	s0 =	sor.u32 s3, s0;
	s1 =	sshll.u32 s1, $0x11  }
0xc1: {  	s0 =	sor.u32 s1, s0  }
0xc2: {  	s0 =	sadd.s32 $0x8F2B, s0  }
0xc3: {  	[sflag:s0] =	ssyncadd.remote.s32 $0x1  }
0xc4: {  	_ =	sfence.sel $0xFFFF  }
0xc5: {  	[dreg:$0x0] =	wrdreg $0xFFFFFFFF;
	(pc) =	sbr.abs _section_cstart, $3  }
0xc6: {  	[dreg:$0x1] =	wrdreg $0xFFFFFFFF  }
0xc7: {  	_ =	task.clear_ibuf [dreg:s10], $0x2FFFF;
	_ =	strace $0x9FFFFFFF  }
0xc8: {  	(tm) =	ssettm $0x7FFFFFFF  }
0xc9: {  	_ =	shalt  }
tec
execute0_lowered:
.L_overlay_start_1:
0x0: {  	(tag) =	ssettag $0x1  }
0x1: {  	s1 =	rddreg [dreg:$0x0]  }
0x2: {  	s12 =	rddreg [dreg:$0x1];
	s0 =	srdreg.scid  }
0x3: {  	s20 =	rddreg [dreg:$0x2];
	s2 =	stileid.u32;
	s3 =	sand.u32 $0x1, s0  }
0x4: {  	s29 =	rddreg [dreg:$0x3];
	s25 =	sshll.u32 s2, $0xA;
	s4 =	sshll.u32 s3, $0x9  }
0x5: {  	s23 =	rddreg [dreg:$0x4];
	s0 =	sor.u32 s4, s25  }
0x6: {  	[dreg:$0x7] =	wrdreg s3;
	s3 =	simm.s32 $0x0;
	s22 =	sshrl.u32 s0, $0x3  }
0x7: {  	[smem:$0x7FF] =	sst s3;
	s26 =	sadd.s32 s12, s22  }
0x8: {  	_ =	strace $0x80000047;
	[dreg:$0x6] =	wrdreg s26  }
0x9: {  	s4 =	simm.s32 $0x2;
	s5 =	rddreg [dreg:$0x6]  }
0xa: {  	[tilespmem:s3], [sflag:$0x2] =	stream.linear.gather [hbm4b:s5+s3], $0x80, $0x38;
	[tilespmem:$0x4080] =	vst v63  }
0xb: {  	_ =	swait.ge [sflag:s4], $0x80  }
0xc: {  	[sflag:s4] =	ssyncset.done $0x0  }
0xd: {  	s6 =	simm.s32 $0x1;
	s5 =	simm.s32 $0x80;
	[sflag:s4] =	ssyncadd.s32 $0xFFFFFF80  }
0xe: {  	[tilespmem:s5], [sflag:$0x1] =	stream.indirect.gather [hbm4b:s1+s5], $0x80, s3, s5, $0xb8;
	[tilespmem:$0x4080] =	vst v63  }
0xf: {  	_ =	swait.ge [sflag:s6], $0x4000  }
0x10: {  	s13 =	sadd.s32 $0x1000, s23;
	s24 =	sshll.u32 s0, $0x4;
	[sflag:s6] =	ssyncset.done $0x0  }
0x11: {  	s7 =	sadd.s32 s13, s24;
	[sflag:s6] =	ssyncadd.s32 $0xFFFFC000  }
0x12: {  	[hbm4b:s7+s3] =	stream.linear.scatter [tilespmem:s5], [sflag:$0x2], $0x4000, $0x38;
	[tilespmem:$0x4080] =	vst v63  }
0x13: {  	s9 =	sor.u32 $0x80, s0;
	_ =	swait.ge [sflag:s4], $0x4000  }
0x14: {  	s25 =	sshrl.u32 s9, $0x3;
	[sflag:s4] =	ssyncset.done $0x0  }
0x15: {  	s8 =	sadd.s32 s12, s25;
	[sflag:s4] =	ssyncadd.s32 $0xFFFFC000  }
0x16: {  	[tilespmem:s3], [sflag:$0x2] =	stream.linear.gather [hbm4b:s8+s3], $0x80, $0x38;
	[tilespmem:$0x4080] =	vst v63  }
0x17: {  	_ =	swait.ge [sflag:s4], $0x80  }
0x18: {  	[sflag:s4] =	ssyncset.done $0x0  }
0x19: {  	[sflag:s4] =	ssyncadd.s32 $0xFFFFFF80  }
0x1a: {  	[tilespmem:s5], [sflag:$0x1] =	stream.indirect.gather [hbm4b:s1+s5], $0x80, s3, s5, $0xb8;
	[tilespmem:$0x4080] =	vst v63  }
0x1b: {  	_ =	swait.ge [sflag:s6], $0x4000  }
0x1c: {  	s26 =	sshll.u32 s9, $0x4;
	[sflag:s6] =	ssyncset.done $0x0  }
0x1d: {  	s9 =	sadd.s32 s13, s26;
	[sflag:s6] =	ssyncadd.s32 $0xFFFFC000  }
0x1e: {  	[hbm4b:s9+s3] =	stream.linear.scatter [tilespmem:s5], [sflag:$0x2], $0x4000, $0x38;
	[tilespmem:$0x4080] =	vst v63  }
0x1f: {  	s11 =	sor.u32 $0x100, s0;
	_ =	swait.ge [sflag:s4], $0x4000  }
0x20: {  	s28 =	sshrl.u32 s11, $0x3;
	[sflag:s4] =	ssyncset.done $0x0  }
0x21: {  	s10 =	sadd.s32 s12, s28;
	[sflag:s4] =	ssyncadd.s32 $0xFFFFC000  }
0x22: {  	[tilespmem:s3], [sflag:$0x2] =	stream.linear.gather [hbm4b:s10+s3], $0x80, $0x38;
	[tilespmem:$0x4080] =	vst v63  }
0x23: {  	_ =	swait.ge [sflag:s4], $0x80  }
0x24: {  	[sflag:s4] =	ssyncset.done $0x0  }
0x25: {  	[sflag:s4] =	ssyncadd.s32 $0xFFFFFF80  }
0x26: {  	[tilespmem:s5], [sflag:$0x1] =	stream.indirect.gather [hbm4b:s1+s5], $0x80, s3, s5, $0xb8;
	[tilespmem:$0x4080] =	vst v63  }
0x27: {  	_ =	swait.ge [sflag:s6], $0x4000  }
0x28: {  	s31 =	sshll.u32 s11, $0x4;
	[sflag:s6] =	ssyncset.done $0x0  }
0x29: {  	s11 =	sadd.s32 s13, s31;
	[sflag:s6] =	ssyncadd.s32 $0xFFFFC000  }
0x2a: {  	[hbm4b:s11+s3] =	stream.linear.scatter [tilespmem:s5], [sflag:$0x2], $0x4000, $0x38;
	[tilespmem:$0x4080] =	vst v63  }
0x2b: {  	s14 =	sor.u32 $0x180, s0;
	_ =	swait.ge [sflag:s4], $0x4000  }
0x2c: {  	s2 =	sshrl.u32 s14, $0x3;
	[sflag:s4] =	ssyncset.done $0x0  }
0x2d: {  	s12 =	sadd.s32 s12, s2;
	[sflag:s4] =	ssyncadd.s32 $0xFFFFC000  }
0x2e: {  	[tilespmem:s3], [sflag:$0x2] =	stream.linear.gather [hbm4b:s12+s3], $0x80, $0x38;
	[tilespmem:$0x4080] =	vst v63  }
0x2f: {  	_ =	swait.ge [sflag:s4], $0x80  }
0x30: {  	[sflag:s4] =	ssyncset.done $0x0  }
0x31: {  	[sflag:s4] =	ssyncadd.s32 $0xFFFFFF80  }
0x32: {  	[tilespmem:s5], [sflag:$0x1] =	stream.indirect.gather [hbm4b:s1+s5], $0x80, s3, s5, $0xb8;
	[tilespmem:$0x4080] =	vst v63  }
0x33: {  	_ =	swait.ge [sflag:s6], $0x4000  }
0x34: {  	s30 =	sshll.u32 s14, $0x4;
	[sflag:s6] =	ssyncset.done $0x0  }
0x35: {  	s13 =	sadd.s32 s13, s30;
	[sflag:s6] =	ssyncadd.s32 $0xFFFFC000  }
0x36: {  	[hbm4b:s13+s3] =	stream.linear.scatter [tilespmem:s5], [sflag:$0x2], $0x4000, $0x38;
	[tilespmem:$0x4080] =	vst v63  }
0x37: {  	_ =	swait.ge [sflag:s4], $0x4000  }
0x38: {  	[sflag:s4] =	ssyncset.done $0x0  }
0x39: {  	s14 =	sadd.s32 s20, s22;
	[sflag:s4] =	ssyncadd.s32 $0xFFFFC000  }
0x3a: {  	[tilespmem:s3], [sflag:$0x2] =	stream.linear.gather [hbm4b:s14+s3], $0x80, $0x38;
	[tilespmem:$0x4080] =	vst v63  }
0x3b: {  	_ =	swait.ge [sflag:s4], $0x80  }
0x3c: {  	[sflag:s4] =	ssyncset.done $0x0  }
0x3d: {  	[sflag:s4] =	ssyncadd.s32 $0xFFFFFF80  }
0x3e: {  	[tilespmem:s5], [sflag:$0x1] =	stream.indirect.gather [hbm4b:s1+s5], $0x80, s3, s5, $0xb8;
	[tilespmem:$0x4080] =	vst v63  }
0x3f: {  	_ =	swait.ge [sflag:s6], $0x4000  }
0x40: {  	s21 =	sadd.s32 $0x41000, s23;
	[sflag:s6] =	ssyncset.done $0x0  }
0x41: {  	s15 =	sadd.s32 s21, s24;
	[sflag:s6] =	ssyncadd.s32 $0xFFFFC000  }
0x42: {  	[hbm4b:s15+s3] =	stream.linear.scatter [tilespmem:s5], [sflag:$0x2], $0x4000, $0x38;
	[tilespmem:$0x4080] =	vst v63  }
0x43: {  	_ =	swait.ge [sflag:s4], $0x4000  }
0x44: {  	[sflag:s4] =	ssyncset.done $0x0  }
0x45: {  	s16 =	sadd.s32 s20, s25;
	[sflag:s4] =	ssyncadd.s32 $0xFFFFC000  }
0x46: {  	[tilespmem:s3], [sflag:$0x2] =	stream.linear.gather [hbm4b:s16+s3], $0x80, $0x38;
	[tilespmem:$0x4080] =	vst v63  }
0x47: {  	_ =	swait.ge [sflag:s4], $0x80  }
0x48: {  	[sflag:s4] =	ssyncset.done $0x0  }
0x49: {  	[sflag:s4] =	ssyncadd.s32 $0xFFFFFF80  }
0x4a: {  	[tilespmem:s5], [sflag:$0x1] =	stream.indirect.gather [hbm4b:s1+s5], $0x80, s3, s5, $0xb8;
	[tilespmem:$0x4080] =	vst v63  }
0x4b: {  	_ =	swait.ge [sflag:s6], $0x4000  }
0x4c: {  	[sflag:s6] =	ssyncset.done $0x0  }
0x4d: {  	s17 =	sadd.s32 s21, s26;
	[sflag:s6] =	ssyncadd.s32 $0xFFFFC000  }
0x4e: {  	[hbm4b:s17+s3] =	stream.linear.scatter [tilespmem:s5], [sflag:$0x2], $0x4000, $0x38;
	[tilespmem:$0x4080] =	vst v63  }
0x4f: {  	_ =	swait.ge [sflag:s4], $0x4000  }
0x50: {  	[sflag:s4] =	ssyncset.done $0x0  }
0x51: {  	s18 =	sadd.s32 s20, s28;
	[sflag:s4] =	ssyncadd.s32 $0xFFFFC000  }
0x52: {  	[tilespmem:s3], [sflag:$0x2] =	stream.linear.gather [hbm4b:s18+s3], $0x80, $0x38;
	[tilespmem:$0x4080] =	vst v63  }
0x53: {  	_ =	swait.ge [sflag:s4], $0x80  }
0x54: {  	[sflag:s4] =	ssyncset.done $0x0  }
0x55: {  	[sflag:s4] =	ssyncadd.s32 $0xFFFFFF80  }
0x56: {  	[tilespmem:s5], [sflag:$0x1] =	stream.indirect.gather [hbm4b:s1+s5], $0x80, s3, s5, $0xb8;
	[tilespmem:$0x4080] =	vst v63  }
0x57: {  	_ =	swait.ge [sflag:s6], $0x4000  }
0x58: {  	[sflag:s6] =	ssyncset.done $0x0  }
0x59: {  	s19 =	sadd.s32 s21, s31;
	[sflag:s6] =	ssyncadd.s32 $0xFFFFC000  }
0x5a: {  	[hbm4b:s19+s3] =	stream.linear.scatter [tilespmem:s5], [sflag:$0x2], $0x4000, $0x38;
	[tilespmem:$0x4080] =	vst v63  }
0x5b: {  	_ =	swait.ge [sflag:s4], $0x4000  }
0x5c: {  	[sflag:s4] =	ssyncset.done $0x0  }
0x5d: {  	s20 =	sadd.s32 s20, s2;
	[sflag:s4] =	ssyncadd.s32 $0xFFFFC000  }
0x5e: {  	[tilespmem:s3], [sflag:$0x2] =	stream.linear.gather [hbm4b:s20+s3], $0x80, $0x38;
	[tilespmem:$0x4080] =	vst v63  }
0x5f: {  	_ =	swait.ge [sflag:s4], $0x80  }
0x60: {  	[sflag:s4] =	ssyncset.done $0x0  }
0x61: {  	[sflag:s4] =	ssyncadd.s32 $0xFFFFFF80  }
0x62: {  	[tilespmem:s5], [sflag:$0x1] =	stream.indirect.gather [hbm4b:s1+s5], $0x80, s3, s5, $0xb8;
	[tilespmem:$0x4080] =	vst v63  }
0x63: {  	_ =	swait.ge [sflag:s6], $0x4000  }
0x64: {  	[sflag:s6] =	ssyncset.done $0x0  }
0x65: {  	s21 =	sadd.s32 s21, s30;
	[sflag:s6] =	ssyncadd.s32 $0xFFFFC000  }
0x66: {  	[hbm4b:s21+s3] =	stream.linear.scatter [tilespmem:s5], [sflag:$0x2], $0x4000, $0x38;
	[tilespmem:$0x4080] =	vst v63  }
0x67: {  	_ =	swait.ge [sflag:s4], $0x4000  }
0x68: {  	[sflag:s4] =	ssyncset.done $0x0  }
0x69: {  	s22 =	sadd.s32 s29, s22;
	[sflag:s4] =	ssyncadd.s32 $0xFFFFC000  }
0x6a: {  	[tilespmem:s3], [sflag:$0x2] =	stream.linear.gather [hbm4b:s22+s3], $0x80, $0x38;
	[tilespmem:$0x4080] =	vst v63  }
0x6b: {  	_ =	swait.ge [sflag:s4], $0x80  }
0x6c: {  	[sflag:s4] =	ssyncset.done $0x0  }
0x6d: {  	[sflag:s4] =	ssyncadd.s32 $0xFFFFFF80  }
0x6e: {  	[tilespmem:s5], [sflag:$0x1] =	stream.indirect.gather [hbm4b:s1+s5], $0x80, s3, s5, $0xb8;
	[tilespmem:$0x4080] =	vst v63  }
0x6f: {  	_ =	swait.ge [sflag:s6], $0x4000  }
0x70: {  	s0 =	sadd.s32 $0x81000, s23;
	[sflag:s6] =	ssyncset.done $0x0  }
0x71: {  	s23 =	sadd.s32 s0, s24;
	[sflag:s6] =	ssyncadd.s32 $0xFFFFC000  }
0x72: {  	[hbm4b:s23+s3] =	stream.linear.scatter [tilespmem:s5], [sflag:$0x2], $0x4000, $0x38;
	[tilespmem:$0x4080] =	vst v63  }
0x73: {  	_ =	swait.ge [sflag:s4], $0x4000  }
0x74: {  	[sflag:s4] =	ssyncset.done $0x0  }
0x75: {  	s24 =	sadd.s32 s29, s25;
	[sflag:s4] =	ssyncadd.s32 $0xFFFFC000  }
0x76: {  	[tilespmem:s3], [sflag:$0x2] =	stream.linear.gather [hbm4b:s24+s3], $0x80, $0x38;
	[tilespmem:$0x4080] =	vst v63  }
0x77: {  	_ =	swait.ge [sflag:s4], $0x80  }
0x78: {  	[sflag:s4] =	ssyncset.done $0x0  }
0x79: {  	[sflag:s4] =	ssyncadd.s32 $0xFFFFFF80  }
0x7a: {  	[tilespmem:s5], [sflag:$0x1] =	stream.indirect.gather [hbm4b:s1+s5], $0x80, s3, s5, $0xb8;
	[tilespmem:$0x4080] =	vst v63  }
0x7b: {  	_ =	swait.ge [sflag:s6], $0x4000  }
0x7c: {  	[sflag:s6] =	ssyncset.done $0x0  }
0x7d: {  	s25 =	sadd.s32 s0, s26;
	[sflag:s6] =	ssyncadd.s32 $0xFFFFC000  }
0x7e: {  	[hbm4b:s25+s3] =	stream.linear.scatter [tilespmem:s5], [sflag:$0x2], $0x4000, $0x38;
	[tilespmem:$0x4080] =	vst v63  }
0x7f: {  	_ =	swait.ge [sflag:s4], $0x4000  }
0x80: {  	[sflag:s4] =	ssyncset.done $0x0  }
0x81: {  	s26 =	sadd.s32 s29, s28;
	[sflag:s4] =	ssyncadd.s32 $0xFFFFC000  }
0x82: {  	[tilespmem:s3], [sflag:$0x2] =	stream.linear.gather [hbm4b:s26+s3], $0x80, $0x38;
	[tilespmem:$0x4080] =	vst v63  }
0x83: {  	_ =	swait.ge [sflag:s4], $0x80  }
0x84: {  	[sflag:s4] =	ssyncset.done $0x0  }
0x85: {  	[sflag:s4] =	ssyncadd.s32 $0xFFFFFF80  }
0x86: {  	[tilespmem:s5], [sflag:$0x1] =	stream.indirect.gather [hbm4b:s1+s5], $0x80, s3, s5, $0xb8;
	[tilespmem:$0x4080] =	vst v63  }
0x87: {  	_ =	swait.ge [sflag:s6], $0x4000  }
0x88: {  	[sflag:s6] =	ssyncset.done $0x0  }
0x89: {  	s28 =	sadd.s32 s0, s31;
	[sflag:s6] =	ssyncadd.s32 $0xFFFFC000  }
0x8a: {  	[hbm4b:s28+s3] =	stream.linear.scatter [tilespmem:s5], [sflag:$0x2], $0x4000, $0x38;
	[tilespmem:$0x4080] =	vst v63  }
0x8b: {  	_ =	swait.ge [sflag:s4], $0x4000  }
0x8c: {  	[sflag:s4] =	ssyncset.done $0x0  }
0x8d: {  	s29 =	sadd.s32 s29, s2;
	[sflag:s4] =	ssyncadd.s32 $0xFFFFC000  }
0x8e: {  	[tilespmem:s3], [sflag:$0x2] =	stream.linear.gather [hbm4b:s29+s3], $0x80, $0x38;
	[tilespmem:$0x4080] =	vst v63  }
0x8f: {  	_ =	swait.ge [sflag:s4], $0x80  }
0x90: {  	[sflag:s4] =	ssyncset.done $0x0;
	s2 =	rddreg [dreg:$0x7]  }
0x91: {  	s2 =	ssub.s32 $0x2, s2;
	[sflag:s4] =	ssyncadd.s32 $0xFFFFFF80  }
0x92: {  	[tilespmem:s5], [sflag:$0x1] =	stream.indirect.gather [hbm4b:s1+s5], $0x80, s3, s5, $0xb8;
	[tilespmem:$0x4080] =	vst v63  }
0x93: {  	s31 =	sshrl.u32 s2, $0x1  }
0x94: {  	s2 =	ssub.s32 s2, s31  }
0x95: {  	s2 =	smax.u32 s2, $0x1  }
0x96: {  	p0 =	sne.s32 s2, $0x1  }
.Ltmp0:
0x97: {  	_ =	swait.ge [sflag:s6], $0x4000;
	(pc) =	sbr.rel @!p0 .LBB2_2-.Ltmp0, $4  }
0x98: {  	[sflag:s6] =	ssyncset.done $0x0  }
0x99: {  	s30 =	sadd.s32 s0, s30;
	[sflag:s6] =	ssyncadd.s32 $0xFFFFC000  }
0x9a: {  	[hbm4b:s30+s3] =	stream.linear.scatter [tilespmem:s5], [sflag:$0x2], $0x4000, $0x38;
	[tilespmem:$0x4080] =	vst v63  }
0x9b: {  	s31 =	sadd.s32 $0xFFFFFFFF, s2;
	_ =	swait.ge [sflag:s4], $0x4000  }
.LBB2_1:
0x9c: {  	[sflag:s4] =	ssyncset.done $0x0  }
0x9d: {  	s0 =	rddreg [dreg:$0x6];
	[sflag:s4] =	ssyncadd.s32 $0xFFFFC000  }
0x9e: {  	[tilespmem:s3], [sflag:$0x2] =	stream.linear.gather [hbm4b:s0+s3], $0x80, $0x38;
	[tilespmem:$0x4080] =	vst v63  }
0x9f: {  	_ =	swait.ge [sflag:s4], $0x80  }
0xa0: {  	[sflag:s4] =	ssyncset.done $0x0  }
0xa1: {  	[sflag:s4] =	ssyncadd.s32 $0xFFFFFF80  }
0xa2: {  	[tilespmem:s5], [sflag:$0x1] =	stream.indirect.gather [hbm4b:s1+s5], $0x80, s3, s5, $0xb8;
	[tilespmem:$0x4080] =	vst v63  }
0xa3: {  	_ =	swait.ge [sflag:s6], $0x4000  }
0xa4: {  	[sflag:s6] =	ssyncset.done $0x0  }
0xa5: {  	[sflag:s6] =	ssyncadd.s32 $0xFFFFC000  }
0xa6: {  	[hbm4b:s7+s3] =	stream.linear.scatter [tilespmem:s5], [sflag:$0x2], $0x4000, $0x38;
	[tilespmem:$0x4080] =	vst v63  }
0xa7: {  	_ =	swait.ge [sflag:s4], $0x4000  }
0xa8: {  	[sflag:s4] =	ssyncset.done $0x0  }
0xa9: {  	[sflag:s4] =	ssyncadd.s32 $0xFFFFC000  }
0xaa: {  	[tilespmem:s3], [sflag:$0x2] =	stream.linear.gather [hbm4b:s8+s3], $0x80, $0x38;
	[tilespmem:$0x4080] =	vst v63  }
0xab: {  	_ =	swait.ge [sflag:s4], $0x80  }
0xac: {  	[sflag:s4] =	ssyncset.done $0x0  }
0xad: {  	[sflag:s4] =	ssyncadd.s32 $0xFFFFFF80  }
0xae: {  	[tilespmem:s5], [sflag:$0x1] =	stream.indirect.gather [hbm4b:s1+s5], $0x80, s3, s5, $0xb8;
	[tilespmem:$0x4080] =	vst v63  }
0xaf: {  	_ =	swait.ge [sflag:s6], $0x4000  }
0xb0: {  	[sflag:s6] =	ssyncset.done $0x0  }
0xb1: {  	[sflag:s6] =	ssyncadd.s32 $0xFFFFC000  }
0xb2: {  	[hbm4b:s9+s3] =	stream.linear.scatter [tilespmem:s5], [sflag:$0x2], $0x4000, $0x38;
	[tilespmem:$0x4080] =	vst v63  }
0xb3: {  	_ =	swait.ge [sflag:s4], $0x4000  }
0xb4: {  	[sflag:s4] =	ssyncset.done $0x0  }
0xb5: {  	[sflag:s4] =	ssyncadd.s32 $0xFFFFC000  }
0xb6: {  	[tilespmem:s3], [sflag:$0x2] =	stream.linear.gather [hbm4b:s10+s3], $0x80, $0x38;
	[tilespmem:$0x4080] =	vst v63  }
0xb7: {  	_ =	swait.ge [sflag:s4], $0x80  }
0xb8: {  	[sflag:s4] =	ssyncset.done $0x0  }
0xb9: {  	[sflag:s4] =	ssyncadd.s32 $0xFFFFFF80  }
0xba: {  	[tilespmem:s5], [sflag:$0x1] =	stream.indirect.gather [hbm4b:s1+s5], $0x80, s3, s5, $0xb8;
	[tilespmem:$0x4080] =	vst v63  }
0xbb: {  	_ =	swait.ge [sflag:s6], $0x4000  }
0xbc: {  	[sflag:s6] =	ssyncset.done $0x0  }
0xbd: {  	[sflag:s6] =	ssyncadd.s32 $0xFFFFC000  }
0xbe: {  	[hbm4b:s11+s3] =	stream.linear.scatter [tilespmem:s5], [sflag:$0x2], $0x4000, $0x38;
	[tilespmem:$0x4080] =	vst v63  }
0xbf: {  	_ =	swait.ge [sflag:s4], $0x4000  }
0xc0: {  	[sflag:s4] =	ssyncset.done $0x0  }
0xc1: {  	[sflag:s4] =	ssyncadd.s32 $0xFFFFC000  }
0xc2: {  	[tilespmem:s3], [sflag:$0x2] =	stream.linear.gather [hbm4b:s12+s3], $0x80, $0x38;
	[tilespmem:$0x4080] =	vst v63  }
0xc3: {  	_ =	swait.ge [sflag:s4], $0x80  }
0xc4: {  	[sflag:s4] =	ssyncset.done $0x0  }
0xc5: {  	[sflag:s4] =	ssyncadd.s32 $0xFFFFFF80  }
0xc6: {  	[tilespmem:s5], [sflag:$0x1] =	stream.indirect.gather [hbm4b:s1+s5], $0x80, s3, s5, $0xb8;
	[tilespmem:$0x4080] =	vst v63  }
0xc7: {  	_ =	swait.ge [sflag:s6], $0x4000  }
0xc8: {  	[sflag:s6] =	ssyncset.done $0x0  }
0xc9: {  	[sflag:s6] =	ssyncadd.s32 $0xFFFFC000  }
0xca: {  	[hbm4b:s13+s3] =	stream.linear.scatter [tilespmem:s5], [sflag:$0x2], $0x4000, $0x38;
	[tilespmem:$0x4080] =	vst v63  }
0xcb: {  	_ =	swait.ge [sflag:s4], $0x4000  }
0xcc: {  	[sflag:s4] =	ssyncset.done $0x0  }
0xcd: {  	[sflag:s4] =	ssyncadd.s32 $0xFFFFC000  }
0xce: {  	[tilespmem:s3], [sflag:$0x2] =	stream.linear.gather [hbm4b:s14+s3], $0x80, $0x38;
	[tilespmem:$0x4080] =	vst v63  }
0xcf: {  	_ =	swait.ge [sflag:s4], $0x80  }
0xd0: {  	[sflag:s4] =	ssyncset.done $0x0  }
0xd1: {  	[sflag:s4] =	ssyncadd.s32 $0xFFFFFF80  }
0xd2: {  	[tilespmem:s5], [sflag:$0x1] =	stream.indirect.gather [hbm4b:s1+s5], $0x80, s3, s5, $0xb8;
	[tilespmem:$0x4080] =	vst v63  }
0xd3: {  	_ =	swait.ge [sflag:s6], $0x4000  }
0xd4: {  	[sflag:s6] =	ssyncset.done $0x0  }
0xd5: {  	[sflag:s6] =	ssyncadd.s32 $0xFFFFC000  }
0xd6: {  	[hbm4b:s15+s3] =	stream.linear.scatter [tilespmem:s5], [sflag:$0x2], $0x4000, $0x38;
	[tilespmem:$0x4080] =	vst v63  }
0xd7: {  	_ =	swait.ge [sflag:s4], $0x4000  }
0xd8: {  	[sflag:s4] =	ssyncset.done $0x0  }
0xd9: {  	[sflag:s4] =	ssyncadd.s32 $0xFFFFC000  }
0xda: {  	[tilespmem:s3], [sflag:$0x2] =	stream.linear.gather [hbm4b:s16+s3], $0x80, $0x38;
	[tilespmem:$0x4080] =	vst v63  }
0xdb: {  	_ =	swait.ge [sflag:s4], $0x80  }
0xdc: {  	[sflag:s4] =	ssyncset.done $0x0  }
0xdd: {  	[sflag:s4] =	ssyncadd.s32 $0xFFFFFF80  }
0xde: {  	[tilespmem:s5], [sflag:$0x1] =	stream.indirect.gather [hbm4b:s1+s5], $0x80, s3, s5, $0xb8;
	[tilespmem:$0x4080] =	vst v63  }
0xdf: {  	_ =	swait.ge [sflag:s6], $0x4000  }
0xe0: {  	[sflag:s6] =	ssyncset.done $0x0  }
0xe1: {  	[sflag:s6] =	ssyncadd.s32 $0xFFFFC000  }
0xe2: {  	[hbm4b:s17+s3] =	stream.linear.scatter [tilespmem:s5], [sflag:$0x2], $0x4000, $0x38;
	[tilespmem:$0x4080] =	vst v63  }
0xe3: {  	_ =	swait.ge [sflag:s4], $0x4000  }
0xe4: {  	[sflag:s4] =	ssyncset.done $0x0  }
0xe5: {  	[sflag:s4] =	ssyncadd.s32 $0xFFFFC000  }
0xe6: {  	[tilespmem:s3], [sflag:$0x2] =	stream.linear.gather [hbm4b:s18+s3], $0x80, $0x38;
	[tilespmem:$0x4080] =	vst v63  }
0xe7: {  	_ =	swait.ge [sflag:s4], $0x80  }
0xe8: {  	[sflag:s4] =	ssyncset.done $0x0  }
0xe9: {  	[sflag:s4] =	ssyncadd.s32 $0xFFFFFF80  }
0xea: {  	[tilespmem:s5], [sflag:$0x1] =	stream.indirect.gather [hbm4b:s1+s5], $0x80, s3, s5, $0xb8;
	[tilespmem:$0x4080] =	vst v63  }
0xeb: {  	_ =	swait.ge [sflag:s6], $0x4000  }
0xec: {  	[sflag:s6] =	ssyncset.done $0x0  }
0xed: {  	[sflag:s6] =	ssyncadd.s32 $0xFFFFC000  }
0xee: {  	[hbm4b:s19+s3] =	stream.linear.scatter [tilespmem:s5], [sflag:$0x2], $0x4000, $0x38;
	[tilespmem:$0x4080] =	vst v63  }
0xef: {  	_ =	swait.ge [sflag:s4], $0x4000  }
0xf0: {  	[sflag:s4] =	ssyncset.done $0x0  }
0xf1: {  	[sflag:s4] =	ssyncadd.s32 $0xFFFFC000  }
0xf2: {  	[tilespmem:s3], [sflag:$0x2] =	stream.linear.gather [hbm4b:s20+s3], $0x80, $0x38;
	[tilespmem:$0x4080] =	vst v63  }
0xf3: {  	_ =	swait.ge [sflag:s4], $0x80  }
0xf4: {  	[sflag:s4] =	ssyncset.done $0x0  }
0xf5: {  	[sflag:s4] =	ssyncadd.s32 $0xFFFFFF80  }
0xf6: {  	[tilespmem:s5], [sflag:$0x1] =	stream.indirect.gather [hbm4b:s1+s5], $0x80, s3, s5, $0xb8;
	[tilespmem:$0x4080] =	vst v63  }
0xf7: {  	_ =	swait.ge [sflag:s6], $0x4000  }
0xf8: {  	[sflag:s6] =	ssyncset.done $0x0  }
0xf9: {  	[sflag:s6] =	ssyncadd.s32 $0xFFFFC000  }
0xfa: {  	[hbm4b:s21+s3] =	stream.linear.scatter [tilespmem:s5], [sflag:$0x2], $0x4000, $0x38;
	[tilespmem:$0x4080] =	vst v63  }
0xfb: {  	_ =	swait.ge [sflag:s4], $0x4000  }
0xfc: {  	[sflag:s4] =	ssyncset.done $0x0  }
0xfd: {  	[sflag:s4] =	ssyncadd.s32 $0xFFFFC000  }
0xfe: {  	[tilespmem:s3], [sflag:$0x2] =	stream.linear.gather [hbm4b:s22+s3], $0x80, $0x38;
	[tilespmem:$0x4080] =	vst v63  }
0xff: {  	_ =	swait.ge [sflag:s4], $0x80  }
0x100: {  	[sflag:s4] =	ssyncset.done $0x0  }
0x101: {  	[sflag:s4] =	ssyncadd.s32 $0xFFFFFF80  }
0x102: {  	[tilespmem:s5], [sflag:$0x1] =	stream.indirect.gather [hbm4b:s1+s5], $0x80, s3, s5, $0xb8;
	[tilespmem:$0x4080] =	vst v63  }
0x103: {  	_ =	swait.ge [sflag:s6], $0x4000  }
0x104: {  	[sflag:s6] =	ssyncset.done $0x0  }
0x105: {  	[sflag:s6] =	ssyncadd.s32 $0xFFFFC000  }
0x106: {  	[hbm4b:s23+s3] =	stream.linear.scatter [tilespmem:s5], [sflag:$0x2], $0x4000, $0x38;
	[tilespmem:$0x4080] =	vst v63  }
0x107: {  	_ =	swait.ge [sflag:s4], $0x4000  }
0x108: {  	[sflag:s4] =	ssyncset.done $0x0  }
0x109: {  	[sflag:s4] =	ssyncadd.s32 $0xFFFFC000  }
0x10a: {  	[tilespmem:s3], [sflag:$0x2] =	stream.linear.gather [hbm4b:s24+s3], $0x80, $0x38;
	[tilespmem:$0x4080] =	vst v63  }
0x10b: {  	_ =	swait.ge [sflag:s4], $0x80  }
0x10c: {  	[sflag:s4] =	ssyncset.done $0x0  }
0x10d: {  	[sflag:s4] =	ssyncadd.s32 $0xFFFFFF80  }
0x10e: {  	[tilespmem:s5], [sflag:$0x1] =	stream.indirect.gather [hbm4b:s1+s5], $0x80, s3, s5, $0xb8;
	[tilespmem:$0x4080] =	vst v63  }
0x10f: {  	_ =	swait.ge [sflag:s6], $0x4000  }
0x110: {  	[sflag:s6] =	ssyncset.done $0x0  }
0x111: {  	[sflag:s6] =	ssyncadd.s32 $0xFFFFC000  }
0x112: {  	[hbm4b:s25+s3] =	stream.linear.scatter [tilespmem:s5], [sflag:$0x2], $0x4000, $0x38;
	[tilespmem:$0x4080] =	vst v63  }
0x113: {  	_ =	swait.ge [sflag:s4], $0x4000  }
0x114: {  	[sflag:s4] =	ssyncset.done $0x0  }
0x115: {  	[sflag:s4] =	ssyncadd.s32 $0xFFFFC000  }
0x116: {  	[tilespmem:s3], [sflag:$0x2] =	stream.linear.gather [hbm4b:s26+s3], $0x80, $0x38;
	[tilespmem:$0x4080] =	vst v63  }
0x117: {  	_ =	swait.ge [sflag:s4], $0x80  }
0x118: {  	[sflag:s4] =	ssyncset.done $0x0  }
0x119: {  	[sflag:s4] =	ssyncadd.s32 $0xFFFFFF80  }
0x11a: {  	[tilespmem:s5], [sflag:$0x1] =	stream.indirect.gather [hbm4b:s1+s5], $0x80, s3, s5, $0xb8;
	[tilespmem:$0x4080] =	vst v63  }
0x11b: {  	_ =	swait.ge [sflag:s6], $0x4000  }
0x11c: {  	[sflag:s6] =	ssyncset.done $0x0  }
0x11d: {  	[sflag:s6] =	ssyncadd.s32 $0xFFFFC000  }
0x11e: {  	[hbm4b:s28+s3] =	stream.linear.scatter [tilespmem:s5], [sflag:$0x2], $0x4000, $0x38;
	[tilespmem:$0x4080] =	vst v63  }
0x11f: {  	_ =	swait.ge [sflag:s4], $0x4000  }
0x120: {  	[sflag:s4] =	ssyncset.done $0x0  }
0x121: {  	[sflag:s4] =	ssyncadd.s32 $0xFFFFC000  }
0x122: {  	[tilespmem:s3], [sflag:$0x2] =	stream.linear.gather [hbm4b:s29+s3], $0x80, $0x38;
	[tilespmem:$0x4080] =	vst v63  }
0x123: {  	_ =	swait.ge [sflag:s4], $0x80  }
0x124: {  	[sflag:s4] =	ssyncset.done $0x0  }
0x125: {  	p0 =	sne.s32 s31, $0x1;
	[sflag:s4] =	ssyncadd.s32 $0xFFFFFF80  }
0x126: {  	[tilespmem:s5], [sflag:$0x1] =	stream.indirect.gather [hbm4b:s1+s5], $0x80, s3, s5, $0xb8;
	[tilespmem:$0x4080] =	vst v63  }
.Ltmp1:
0x127: {  	_ =	swait.ge [sflag:s6], $0x4000;
	(pc) =	sbr.rel @p0 .LBB2_1-.Ltmp1, $4  }
0x128: {  	[sflag:s6] =	ssyncset.done $0x0  }
0x129: {  	[sflag:s6] =	ssyncadd.s32 $0xFFFFC000  }
0x12a: {  	[hbm4b:s30+s3] =	stream.linear.scatter [tilespmem:s5], [sflag:$0x2], $0x4000, $0x38;
	[tilespmem:$0x4080] =	vst v63  }
0x12b: {  	s31 =	sadd.s32 $0xFFFFFFFF, s31;
	_ =	swait.ge [sflag:s4], $0x4000  }
.LBB2_2:
0x12c: {  	[sflag:s4] =	ssyncset.done $0x0  }
0x12d: {  	[sflag:s4] =	ssyncadd.s32 $0xFFFFC000  }
0x12e: {  	_ =	sfence.sel $0x180000  }
0x12f: {  	[bflag:$0x0] =	sbarrier.arrive $0xFFFF  }
0x130: {  	_ =	strace $0x90000047  }
0x131: {  	s0 =	stileid.u32;
	[bflag:$0x2] =	sbarrier.arrive $0xFFFF  }
0x132: {  	p0 =	sne.s32 s0, $0x0;
	s0 =	rddreg [dreg:$0x5]  }
0x133: {  	s0 =	sadd.s32 @!p0 $0x100000, s0  }
0x134: {  	[sflag:s0] =	ssyncadd.tile.s32 @!p0 $0x1;
	_ =	shalt  }
.Lfunc_end2:
_tile_overlayer_lowered:
.L_overlay_start_2:
0x135: {  	(tag) =	ssettag $0x2  }
0x136: {  	s0 =	rddreg [dreg:$0x0];
	s2 =	stileid.u32  }
0x137: {  	s1 =	rddreg [dreg:$0x1];
	p0 =	sne.s32 s2, $0x0  }
0x138: {  	s3 =	rddreg [dreg:$0x2];
	[bflag:$0x3] =	sbarrier.arrive $0xFFFF;
	s2 =	simm.s32 @!p0 $0x1C02  }
0x139: {  	[timem:s3], [sflag:s2] =	dma.local @!p0 [hbm:s0], s1  }
0x13a: {  	s0 =	simm.s32 @!p0 $0x2  }
0x13b: {  	_ =	swait.ge @!p0 [sflag:s0], s1  }
0x13c: {  	s1 =	ssub.s32 @!p0 $0x0, s1;
	[sflag:s0] =	ssyncset.done @!p0 $0x0  }
0x13d: {  	[sflag:s0] =	ssyncadd.s32 @!p0 s1  }
0x13e: {  	[bflag:$0x3] =	sbarrier.arrive $0xFFFF  }
0x13f: {  	_ =	shalt  }

</sc_bundles>
